<compile_context>
chip_gen: v7x
topology: tpu7x:2x2x1
jax: 0.10.2.dev20260603
libtpu: 0.0.44.dev20260713+nightly
codegen_flags: <defaults>
</compile_context>

<pallas_src>
import functools

import jax
import jax.numpy as jnp
from jax import lax
from jax.experimental import pallas as pl
from jax.experimental.pallas import tpu as pltpu
from jax.experimental.pallas import tpu_sc as plsc

EMB = 32
VOCAB = 1000000
NC, NS = 2, 16
NW = NC * NS
CHUNK = 128
B = 4096 * 26
PER_W = B // NW
NCHUNK = PER_W // CHUNK
L = 16
BPITCH = 8


def _make_gather_kernel():
  mesh = plsc.VectorSubcoreMesh(core_axis_name="c", subcore_axis_name="s")

  @functools.partial(
      pl.kernel,
      out_type=(
          jax.ShapeDtypeStruct((B, EMB), jnp.float32),
          jax.ShapeDtypeStruct((B,), jnp.float32),
      ),
      mesh=mesh,
      compiler_params=pltpu.CompilerParams(
          needs_layout_passes=False, use_tc_tiling_on_sc=False
      ),
      scratch_types=[
          pltpu.VMEM((NCHUNK, CHUNK), jnp.int32),
          pltpu.VMEM((2, CHUNK), jnp.int32),
          pltpu.VMEM((PER_W, EMB), jnp.float32),
          pltpu.VMEM((2, CHUNK, BPITCH), jnp.float32),
          pltpu.VMEM((PER_W,), jnp.float32),
          pltpu.SemaphoreType.DMA,
          pltpu.SemaphoreType.DMA,
      ],
  )
  def kb(idx_hbm, wt_hbm, bt_hbm, w_hbm, b_hbm,
         idx_v, q_v, w_v, b8_v, b_v, sem_w, sem_b):
    wid = lax.axis_index("s") * NC + lax.axis_index("c")
    base = wid * PER_W

    pltpu.sync_copy(idx_hbm.at[wid], idx_v)

    lanes = lax.iota(jnp.int32, L)

    def prep(g, buf):
      def grp(t8, c2):
        idx16 = idx_v[g, pl.ds(t8 * L, L)]
        q_v[buf, pl.ds(t8 * L, L)] = lax.shift_right_logical(idx16, 3)
        return c2

      lax.fori_loop(0, CHUNK // L, grp, 0)

    def fire(g, buf):
      pltpu.make_async_copy(
          wt_hbm.at[idx_v.at[g]],
          w_v.at[pl.ds(g * CHUNK, CHUNK)],
          sem_w,
      ).start()
      pltpu.make_async_copy(
          bt_hbm.at[q_v.at[buf]],
          b8_v.at[buf],
          sem_b,
      ).start()

    def drain(g, buf):
      pltpu.make_async_copy(
          wt_hbm.at[idx_v.at[g]],
          w_v.at[pl.ds(g * CHUNK, CHUNK)],
          sem_w,
      ).wait()
      pltpu.make_async_copy(
          bt_hbm.at[q_v.at[buf]],
          b8_v.at[buf],
          sem_b,
      ).wait()

    def extract(g, buf):
      bufv = jnp.full((L,), buf, jnp.int32)

      def grp(t8, c2):
        idx16 = idx_v[g, pl.ds(t8 * L, L)]
        vals = plsc.load_gather(
            b8_v, [bufv, lanes + t8 * L, lax.bitwise_and(idx16, 7)]
        )
        b_v[pl.ds(g * CHUNK + t8 * L, L)] = vals
        return c2

      lax.fori_loop(0, CHUNK // L, grp, 0)

    prep(0, 0)
    fire(0, 0)

    def pair(g2, carry):
      g0 = g2 * 2
      prep(g0 + 1, 1)
      fire(g0 + 1, 1)
      drain(g0, 0)
      extract(g0, 0)

      @pl.when(g0 + 2 < NCHUNK)
      def _():
        prep(g0 + 2, 0)
        fire(g0 + 2, 0)

      drain(g0 + 1, 1)
      extract(g0 + 1, 1)
      return carry

    lax.fori_loop(0, NCHUNK // 2, pair, 0)

    pltpu.sync_copy(w_v, w_hbm.at[pl.ds(base, PER_W)])
    pltpu.sync_copy(b_v, b_hbm.at[pl.ds(base, PER_W)])

  return kb


_gather = _make_gather_kernel()


@jax.jit
def kernel(input, table):
  idx = input.astype(jnp.int32).reshape(NW, NCHUNK, CHUNK)
  wt = table[:, :EMB].reshape(-1).reshape(VOCAB, EMB)
  bt = table[:, EMB].reshape(VOCAB // BPITCH, BPITCH)
  w_flat, b_flat = _gather(idx, wt, bt)
  w = w_flat.reshape(*input.shape, EMB)
  b = b_flat.reshape(input.shape)
  return (w, b)

# --- scband reference (transcript-rebuilt; emitter-appended) ---
"""Pipeline reference for scband-embedding-with-bias-36472862277767 (READ-ONLY COPY).

The authoritative reference and input builder live on the scoring server;
editing this copy changes nothing except your own understanding.
"""

import jax, jax.numpy as jnp
import numpy as np

VOCAB = 1000000
EMB_DIM = 32

def setup_inputs(seed: int = 0) -> dict:
    key = jax.random.key(seed)
    k1, k2 = jax.random.split(key)
    inp = jax.random.randint(k1, (4096, 26), 0, VOCAB)
    # nn.Embedding weight: [vocab_size, emb_dim + 1]
    table = jax.random.normal(k2, (VOCAB, EMB_DIM + 1), dtype=jnp.float32)
    return {"input": inp, "table": table}

def reference(input, table):
    # emb = self.embeddings(input)
    emb = jnp.take(table, input, axis=0)  # [B, F, emb_dim+1]
    # split last column off as bias
    w = emb[..., :EMB_DIM]               # [B, F, emb_dim]
    b = emb[..., EMB_DIM]                # [B, F]
    return (w, b)

if __name__ == "__main__":
    import jax
    _d = setup_inputs()
    print(jax.jit(kernel)(*tuple(_d.values())))

</pallas_src>

<mosaic_0001>
#map = affine_map<(d0, d1) -> (0, 0, 0)>
#map1 = affine_map<(d0, d1) -> (0, 0)>
#map2 = affine_map<(d0, d1) -> (0)>
module attributes {stable_mosaic.version = 14 : i64} {
  func.func @kb(%arg0: i32, %arg1: i32, %arg2: memref<32x26x128xi32, #tpu.memory_space<hbm>>, %arg3: memref<1000000x32xf32, #tpu.memory_space<hbm>>, %arg4: memref<125000x8xf32, #tpu.memory_space<hbm>>, %arg5: memref<106496x32xf32, #tpu.memory_space<hbm>>, %arg6: memref<106496xf32, #tpu.memory_space<hbm>>, %arg7: memref<26x128xi32, #tpu.memory_space<vmem>>, %arg8: memref<2x128xi32, #tpu.memory_space<vmem>>, %arg9: memref<3328x32xf32, #tpu.memory_space<vmem>>, %arg10: memref<2x128x8xf32, #tpu.memory_space<vmem>>, %arg11: memref<3328xf32, #tpu.memory_space<vmem>>, %arg12: memref<!tpu.dma_semaphore, #tpu.memory_space<semaphore_mem>>, %arg13: memref<!tpu.dma_semaphore, #tpu.memory_space<semaphore_mem>>) attributes {dimension_semantics = [#tpu.dimension_semantics<core_parallel>, #tpu.dimension_semantics<subcore_parallel>], iteration_bounds = array<i64: 2, 16>, scalar_prefetch = 0 : i64, scratch_operands = 7 : i64, tpu.core_type = #tpu.core_type<sc_vector_subcore>, window_params = [{transform_indices = #map}, {transform_indices = #map1}, {transform_indices = #map1}, {transform_indices = #map1}, {transform_indices = #map2}]} {
    %mul3A = arith.constant 2 : i32
    %mul3A_0 = arith.muli %arg1, %mul3A : i32
    %add3A = arith.addi %mul3A_0, %arg0 : i32
    %mul3A_1 = arith.constant 3328 : i32
    %mul3A_2 = arith.muli %add3A, %mul3A_1 : i32
    "tpu.region"() ({
      %run_scoped3A = tpu.sem_alloc : memref<!tpu.dma_semaphore, #tpu.memory_space<semaphore_mem>>
      %dma_start3A_35 = arith.constant 0 : i32
      %dma_start3A_36 = arith.constant 0 : i32
      %dma_start3A_37 = tpu.memref_slice %arg2[%add3A, %dma_start3A_35, %dma_start3A_36] : memref<32x26x128xi32, #tpu.memory_space<hbm>> -> memref<1x26x128xi32, #tpu.memory_space<hbm>>
      %dma_start3A_38 = tpu.memref_squeeze %dma_start3A_37 : memref<1x26x128xi32, #tpu.memory_space<hbm>> -> memref<26x128xi32, #tpu.memory_space<hbm>>
      %dma_start3A_39 = arith.constant 0 : i32
      %dma_start3A_40 = arith.constant 0 : i32
      %dma_start3A_41 = tpu.memref_slice %arg2[%add3A, %dma_start3A_39, %dma_start3A_40] : memref<32x26x128xi32, #tpu.memory_space<hbm>> -> memref<1x26x128xi32, #tpu.memory_space<hbm>>
      %dma_start3A_42 = tpu.memref_squeeze %dma_start3A_41 : memref<1x26x128xi32, #tpu.memory_space<hbm>> -> memref<26x128xi32, #tpu.memory_space<hbm>>
      tpu.enqueue_dma source(%dma_start3A_42 : memref<26x128xi32, #tpu.memory_space<hbm>>) target(%arg7 : memref<26x128xi32, #tpu.memory_space<vmem>>) target_semaphore(%run_scoped3A : memref<!tpu.dma_semaphore, #tpu.memory_space<semaphore_mem>>)
      %dma_wait3A = arith.constant 0 : i32
      %dma_wait3A_43 = arith.constant 0 : i32
      %dma_wait3A_44 = tpu.memref_slice %arg2[%add3A, %dma_wait3A, %dma_wait3A_43] : memref<32x26x128xi32, #tpu.memory_space<hbm>> -> memref<1x26x128xi32, #tpu.memory_space<hbm>>
      %dma_wait3A_45 = tpu.memref_squeeze %dma_wait3A_44 : memref<1x26x128xi32, #tpu.memory_space<hbm>> -> memref<26x128xi32, #tpu.memory_space<hbm>>
      %dma_wait3A_46 = arith.constant 0 : i32
      %dma_wait3A_47 = arith.constant 0 : i32
      %dma_wait3A_48 = tpu.memref_slice %arg2[%add3A, %dma_wait3A_46, %dma_wait3A_47] : memref<32x26x128xi32, #tpu.memory_space<hbm>> -> memref<1x26x128xi32, #tpu.memory_space<hbm>>
      %dma_wait3A_49 = tpu.memref_squeeze %dma_wait3A_48 : memref<1x26x128xi32, #tpu.memory_space<hbm>> -> memref<26x128xi32, #tpu.memory_space<hbm>>
      tpu.wait_dma2 semaphore(%run_scoped3A : memref<!tpu.dma_semaphore, #tpu.memory_space<semaphore_mem>>) src(%dma_wait3A_49 : memref<26x128xi32, #tpu.memory_space<hbm>>) dst(%arg7 : memref<26x128xi32, #tpu.memory_space<vmem>>)
      tpu.yield
    }) : () -> ()
    %iota3A = tpu.iota {dimensions = array<i32: 0>} : vector<16xi32>
    %scan3A = arith.constant 0 : i32
    %scan3A_3 = arith.constant 0 : i32
    %scan3A_4 = arith.constant 8 : i32
    %scan3A_5 = arith.addi %scan3A_3, %scan3A_4 : i32
    %scan3A_6 = arith.constant 1 : i32
    scf.for %scan3A_35 = %scan3A_3 to %scan3A_5 step %scan3A_6  : i32 {
      %mul3A_36 = arith.constant 16 : i32
      %mul3A_37 = arith.muli %scan3A_35, %mul3A_36 : i32
      %get3A = arith.constant 0 : i32
      %get3A_38 = arith.index_cast %get3A : i32 to index
      %get3A_39 = arith.index_cast %mul3A_37 : i32 to index
      %get3A_40 = tpu.vector_load %arg7[%get3A_38, %get3A_39] {strides = array<i32>} : memref<26x128xi32, #tpu.memory_space<vmem>>, vector<16xi32>,
      %shift_right_logical3A = arith.constant 3 : i32
      %shift_right_logical3A_41 = vector.broadcast %shift_right_logical3A : i32 to vector<16xi32>
      %shift_right_logical3A_42 = arith.shrui %get3A_40, %shift_right_logical3A_41 : vector<16xi32>
      %mul3A_43 = arith.constant 16 : i32
      %mul3A_44 = arith.muli %scan3A_35, %mul3A_43 : i32
      %swap3A = arith.constant 0 : i32
      %swap3A_45 = arith.index_cast %swap3A : i32 to index
      %swap3A_46 = arith.index_cast %mul3A_44 : i32 to index
      %swap3A_47 = tpu.vector_load %arg8[%swap3A_45, %swap3A_46] {strides = array<i32>} : memref<2x128xi32, #tpu.memory_space<vmem>>, vector<16xi32>,
      tpu.vector_store %arg8[%swap3A_45, %swap3A_46], %shift_right_logical3A_42 {strides = array<i32>} : memref<2x128xi32, #tpu.memory_space<vmem>>, vector<16xi32>,
    }
    %scan3A_7 = arith.constant 8 : i32
    %dma_start3A = arith.constant 0 : i32
    %dma_start3A_8 = arith.constant 0 : i32
    %dma_start3A_9 = arith.constant 0 : i32
    %dma_start3A_10 = tpu.memref_slice %arg9[%dma_start3A_8, %dma_start3A_9] : memref<3328x32xf32, #tpu.memory_space<vmem>> -> memref<128x32xf32, #tpu.memory_space<vmem>>
    %dma_start3A_11 = arith.constant 0 : i32
    %dma_start3A_12 = tpu.memref_slice %arg7[%dma_start3A, %dma_start3A_11] : memref<26x128xi32, #tpu.memory_space<vmem>> -> memref<1x128xi32, #tpu.memory_space<vmem>>
    %dma_start3A_13 = tpu.memref_squeeze %dma_start3A_12 : memref<1x128xi32, #tpu.memory_space<vmem>> -> memref<128xi32, #tpu.memory_space<vmem>>
    %dma_start3A_14 = arith.constant 0 : i32
    %dma_start3A_15 = arith.constant 0 : i32
    %dma_start3A_16 = tpu.memref_slice %arg3[%dma_start3A_14, %dma_start3A_15] : memref<1000000x32xf32, #tpu.memory_space<hbm>> -> memref<1000000x32xf32, #tpu.memory_space<hbm>>
    tpu.enqueue_indirect_dma source(%dma_start3A_16 : memref<1000000x32xf32, #tpu.memory_space<hbm>>) target(%dma_start3A_10 : memref<128x32xf32, #tpu.memory_space<vmem>>) offsets(%dma_start3A_13 : memref<128xi32, #tpu.memory_space<vmem>>) semaphore(%arg12 : memref<!tpu.dma_semaphore, #tpu.memory_space<semaphore_mem>>)
    %dma_start3A_17 = arith.constant 0 : i32
    %dma_start3A_18 = arith.constant 0 : i32
    %dma_start3A_19 = arith.constant 0 : i32
    %dma_start3A_20 = arith.constant 0 : i32
    %dma_start3A_21 = tpu.memref_slice %arg10[%dma_start3A_18, %dma_start3A_19, %dma_start3A_20] : memref<2x128x8xf32, #tpu.memory_space<vmem>> -> memref<1x128x8xf32, #tpu.memory_space<vmem>>
    %dma_start3A_22 = tpu.memref_squeeze %dma_start3A_21 : memref<1x128x8xf32, #tpu.memory_space<vmem>> -> memref<128x8xf32, #tpu.memory_space<vmem>>
    %dma_start3A_23 = arith.constant 0 : i32
    %dma_start3A_24 = tpu.memref_slice %arg8[%dma_start3A_17, %dma_start3A_23] : memref<2x128xi32, #tpu.memory_space<vmem>> -> memref<1x128xi32, #tpu.memory_space<vmem>>
    %dma_start3A_25 = tpu.memref_squeeze %dma_start3A_24 : memref<1x128xi32, #tpu.memory_space<vmem>> -> memref<128xi32, #tpu.memory_space<vmem>>
    %dma_start3A_26 = arith.constant 0 : i32
    %dma_start3A_27 = arith.constant 0 : i32
    %dma_start3A_28 = tpu.memref_slice %arg4[%dma_start3A_26, %dma_start3A_27] : memref<125000x8xf32, #tpu.memory_space<hbm>> -> memref<125000x8xf32, #tpu.memory_space<hbm>>
    tpu.enqueue_indirect_dma source(%dma_start3A_28 : memref<125000x8xf32, #tpu.memory_space<hbm>>) target(%dma_start3A_22 : memref<128x8xf32, #tpu.memory_space<vmem>>) offsets(%dma_start3A_25 : memref<128xi32, #tpu.memory_space<vmem>>) semaphore(%arg13 : memref<!tpu.dma_semaphore, #tpu.memory_space<semaphore_mem>>)
    %scan3A_29 = arith.constant 0 : i32
    %scan3A_30 = arith.constant 0 : i32
    %scan3A_31 = arith.constant 13 : i32
    %scan3A_32 = arith.addi %scan3A_30, %scan3A_31 : i32
    %scan3A_33 = arith.constant 1 : i32
    scf.for %scan3A_35 = %scan3A_30 to %scan3A_32 step %scan3A_33  : i32 {
      %mul3A_36 = arith.constant 2 : i32
      %mul3A_37 = arith.muli %scan3A_35, %mul3A_36 : i32
      %add3A_38 = arith.constant 1 : i32
      %add3A_39 = arith.addi %mul3A_37, %add3A_38 : i32
      %scan3A_40 = arith.constant 0 : i32
      %scan3A_41 = arith.constant 0 : i32
      %scan3A_42 = arith.constant 8 : i32
      %scan3A_43 = arith.addi %scan3A_41, %scan3A_42 : i32
      %scan3A_44 = arith.constant 1 : i32
      scf.for %scan3A_136 = %scan3A_41 to %scan3A_43 step %scan3A_44  : i32 {
        %mul3A_137 = arith.constant 16 : i32
        %mul3A_138 = arith.muli %scan3A_136, %mul3A_137 : i32
        %get3A = arith.index_cast %add3A_39 : i32 to index
        %get3A_139 = arith.index_cast %mul3A_138 : i32 to index
        %get3A_140 = tpu.vector_load %arg7[%get3A, %get3A_139] {strides = array<i32>} : memref<26x128xi32, #tpu.memory_space<vmem>>, vector<16xi32>,
        %shift_right_logical3A = arith.constant 3 : i32
        %shift_right_logical3A_141 = vector.broadcast %shift_right_logical3A : i32 to vector<16xi32>
        %shift_right_logical3A_142 = arith.shrui %get3A_140, %shift_right_logical3A_141 : vector<16xi32>
        %mul3A_143 = arith.constant 16 : i32
        %mul3A_144 = arith.muli %scan3A_136, %mul3A_143 : i32
        %swap3A = arith.constant 1 : i32
        %swap3A_145 = arith.index_cast %swap3A : i32 to index
        %swap3A_146 = arith.index_cast %mul3A_144 : i32 to index
        %swap3A_147 = tpu.vector_load %arg8[%swap3A_145, %swap3A_146] {strides = array<i32>} : memref<2x128xi32, #tpu.memory_space<vmem>>, vector<16xi32>,
        tpu.vector_store %arg8[%swap3A_145, %swap3A_146], %shift_right_logical3A_142 {strides = array<i32>} : memref<2x128xi32, #tpu.memory_space<vmem>>, vector<16xi32>,
      }
      %scan3A_45 = arith.constant 8 : i32
      %add3A_46 = arith.constant 1 : i32
      %add3A_47 = arith.addi %mul3A_37, %add3A_46 : i32
      %mul3A_48 = arith.constant 128 : i32
      %mul3A_49 = arith.muli %add3A_47, %mul3A_48 : i32
      %dma_start3A_50 = arith.constant 0 : i32
      %dma_start3A_51 = tpu.memref_slice %arg9[%mul3A_49, %dma_start3A_50] : memref<3328x32xf32, #tpu.memory_space<vmem>> -> memref<128x32xf32, #tpu.memory_space<vmem>>
      %dma_start3A_52 = arith.constant 0 : i32
      %dma_start3A_53 = tpu.memref_slice %arg7[%add3A_47, %dma_start3A_52] : memref<26x128xi32, #tpu.memory_space<vmem>> -> memref<1x128xi32, #tpu.memory_space<vmem>>
      %dma_start3A_54 = tpu.memref_squeeze %dma_start3A_53 : memref<1x128xi32, #tpu.memory_space<vmem>> -> memref<128xi32, #tpu.memory_space<vmem>>
      %dma_start3A_55 = arith.constant 0 : i32
      %dma_start3A_56 = arith.constant 0 : i32
      %dma_start3A_57 = tpu.memref_slice %arg3[%dma_start3A_55, %dma_start3A_56] : memref<1000000x32xf32, #tpu.memory_space<hbm>> -> memref<1000000x32xf32, #tpu.memory_space<hbm>>
      tpu.enqueue_indirect_dma source(%dma_start3A_57 : memref<1000000x32xf32, #tpu.memory_space<hbm>>) target(%dma_start3A_51 : memref<128x32xf32, #tpu.memory_space<vmem>>) offsets(%dma_start3A_54 : memref<128xi32, #tpu.memory_space<vmem>>) semaphore(%arg12 : memref<!tpu.dma_semaphore, #tpu.memory_space<semaphore_mem>>)
      %dma_start3A_58 = arith.constant 1 : i32
      %dma_start3A_59 = arith.constant 1 : i32
      %dma_start3A_60 = arith.constant 0 : i32
      %dma_start3A_61 = arith.constant 0 : i32
      %dma_start3A_62 = tpu.memref_slice %arg10[%dma_start3A_59, %dma_start3A_60, %dma_start3A_61] : memref<2x128x8xf32, #tpu.memory_space<vmem>> -> memref<1x128x8xf32, #tpu.memory_space<vmem>>
      %dma_start3A_63 = tpu.memref_squeeze %dma_start3A_62 : memref<1x128x8xf32, #tpu.memory_space<vmem>> -> memref<128x8xf32, #tpu.memory_space<vmem>>
      %dma_start3A_64 = arith.constant 0 : i32
      %dma_start3A_65 = tpu.memref_slice %arg8[%dma_start3A_58, %dma_start3A_64] : memref<2x128xi32, #tpu.memory_space<vmem>> -> memref<1x128xi32, #tpu.memory_space<vmem>>
      %dma_start3A_66 = tpu.memref_squeeze %dma_start3A_65 : memref<1x128xi32, #tpu.memory_space<vmem>> -> memref<128xi32, #tpu.memory_space<vmem>>
      %dma_start3A_67 = arith.constant 0 : i32
      %dma_start3A_68 = arith.constant 0 : i32
      %dma_start3A_69 = tpu.memref_slice %arg4[%dma_start3A_67, %dma_start3A_68] : memref<125000x8xf32, #tpu.memory_space<hbm>> -> memref<125000x8xf32, #tpu.memory_space<hbm>>
      tpu.enqueue_indirect_dma source(%dma_start3A_69 : memref<125000x8xf32, #tpu.memory_space<hbm>>) target(%dma_start3A_63 : memref<128x8xf32, #tpu.memory_space<vmem>>) offsets(%dma_start3A_66 : memref<128xi32, #tpu.memory_space<vmem>>) semaphore(%arg13 : memref<!tpu.dma_semaphore, #tpu.memory_space<semaphore_mem>>)
      %mul3A_70 = arith.constant 128 : i32
      %mul3A_71 = arith.muli %mul3A_37, %mul3A_70 : i32
      %dma_wait3A = arith.constant 0 : i32
      %dma_wait3A_72 = tpu.memref_slice %arg9[%mul3A_71, %dma_wait3A] : memref<3328x32xf32, #tpu.memory_space<vmem>> -> memref<128x32xf32, #tpu.memory_space<vmem>>
      %dma_wait3A_73 = arith.constant 0 : i32
      %dma_wait3A_74 = tpu.memref_slice %arg7[%mul3A_37, %dma_wait3A_73] : memref<26x128xi32, #tpu.memory_space<vmem>> -> memref<1x128xi32, #tpu.memory_space<vmem>>
      %dma_wait3A_75 = tpu.memref_squeeze %dma_wait3A_74 : memref<1x128xi32, #tpu.memory_space<vmem>> -> memref<128xi32, #tpu.memory_space<vmem>>
      %dma_wait3A_76 = arith.constant 0 : i32
      %dma_wait3A_77 = arith.constant 0 : i32
      %dma_wait3A_78 = tpu.memref_slice %arg3[%dma_wait3A_76, %dma_wait3A_77] : memref<1000000x32xf32, #tpu.memory_space<hbm>> -> memref<1000000x32xf32, #tpu.memory_space<hbm>>
      tpu.wait_indirect_dma semaphore(%arg12 : memref<!tpu.dma_semaphore, #tpu.memory_space<semaphore_mem>>) src(%dma_wait3A_78 : memref<1000000x32xf32, #tpu.memory_space<hbm>>) dst(%dma_wait3A_72 : memref<128x32xf32, #tpu.memory_space<vmem>>)
      %dma_wait3A_79 = arith.constant 0 : i32
      %dma_wait3A_80 = arith.constant 0 : i32
      %dma_wait3A_81 = arith.constant 0 : i32
      %dma_wait3A_82 = arith.constant 0 : i32
      %dma_wait3A_83 = tpu.memref_slice %arg10[%dma_wait3A_80, %dma_wait3A_81, %dma_wait3A_82] : memref<2x128x8xf32, #tpu.memory_space<vmem>> -> memref<1x128x8xf32, #tpu.memory_space<vmem>>
      %dma_wait3A_84 = tpu.memref_squeeze %dma_wait3A_83 : memref<1x128x8xf32, #tpu.memory_space<vmem>> -> memref<128x8xf32, #tpu.memory_space<vmem>>
      %dma_wait3A_85 = arith.constant 0 : i32
      %dma_wait3A_86 = tpu.memref_slice %arg8[%dma_wait3A_79, %dma_wait3A_85] : memref<2x128xi32, #tpu.memory_space<vmem>> -> memref<1x128xi32, #tpu.memory_space<vmem>>
      %dma_wait3A_87 = tpu.memref_squeeze %dma_wait3A_86 : memref<1x128xi32, #tpu.memory_space<vmem>> -> memref<128xi32, #tpu.memory_space<vmem>>
      %dma_wait3A_88 = arith.constant 0 : i32
      %dma_wait3A_89 = arith.constant 0 : i32
      %dma_wait3A_90 = tpu.memref_slice %arg4[%dma_wait3A_88, %dma_wait3A_89] : memref<125000x8xf32, #tpu.memory_space<hbm>> -> memref<125000x8xf32, #tpu.memory_space<hbm>>
      tpu.wait_indirect_dma semaphore(%arg13 : memref<!tpu.dma_semaphore, #tpu.memory_space<semaphore_mem>>) src(%dma_wait3A_90 : memref<125000x8xf32, #tpu.memory_space<hbm>>) dst(%dma_wait3A_84 : memref<128x8xf32, #tpu.memory_space<vmem>>)
      %broadcast_in_dim3A = arith.constant 0 : i32
      %broadcast_in_dim3A_91 = vector.broadcast %broadcast_in_dim3A : i32 to vector<16xi32>
      %scan3A_92 = arith.constant 0 : i32
      %scan3A_93 = arith.constant 0 : i32
      %scan3A_94 = arith.constant 8 : i32
      %scan3A_95 = arith.addi %scan3A_93, %scan3A_94 : i32
      %scan3A_96 = arith.constant 1 : i32
      scf.for %scan3A_136 = %scan3A_93 to %scan3A_95 step %scan3A_96  : i32 {
        %mul3A_137 = arith.constant 16 : i32
        %mul3A_138 = arith.muli %scan3A_136, %mul3A_137 : i32
        %get3A = arith.index_cast %mul3A_37 : i32 to index
        %get3A_139 = arith.index_cast %mul3A_138 : i32 to index
        %get3A_140 = tpu.vector_load %arg7[%get3A, %get3A_139] {strides = array<i32>} : memref<26x128xi32, #tpu.memory_space<vmem>>, vector<16xi32>,
        %mul3A_141 = arith.constant 16 : i32
        %mul3A_142 = arith.muli %scan3A_136, %mul3A_141 : i32
        %add3A_143 = vector.broadcast %mul3A_142 : i32 to vector<16xi32>
        %add3A_144 = arith.addi %iota3A, %add3A_143 : vector<16xi32>
        %and3A = arith.constant 7 : i32
        %and3A_145 = vector.broadcast %and3A : i32 to vector<16xi32>
        %and3A_146 = arith.andi %get3A_140, %and3A_145 : vector<16xi32>
        %gather3A = tpu.vector_load_idx %arg10[%broadcast_in_dim3A_91, %add3A_144, %and3A_146] : memref<2x128x8xf32, #tpu.memory_space<vmem>>[vector<16xi32>, vector<16xi32>, vector<16xi32>], vector<16xf32>,
        %mul3A_147 = arith.constant 128 : i32
        %mul3A_148 = arith.muli %mul3A_37, %mul3A_147 : i32
        %mul3A_149 = arith.constant 16 : i32
        %mul3A_150 = arith.muli %scan3A_136, %mul3A_149 : i32
        %add3A_151 = arith.addi %mul3A_148, %mul3A_150 : i32
        %swap3A = arith.index_cast %add3A_151 : i32 to index
        %swap3A_152 = tpu.vector_load %arg11[%swap3A] {strides = array<i32>} : memref<3328xf32, #tpu.memory_space<vmem>>, vector<16xf32>,
        tpu.vector_store %arg11[%swap3A], %gather3A {strides = array<i32>} : memref<3328xf32, #tpu.memory_space<vmem>>, vector<16xf32>,
      }
      %scan3A_97 = arith.constant 8 : i32
      %add3A_98 = arith.constant 2 : i32
      %add3A_99 = arith.addi %mul3A_37, %add3A_98 : i32
      %lt3A = arith.constant 26 : i32
      %lt3A_100 = arith.cmpi slt, %add3A_99, %lt3A : i32
      %convert_element_type3A = arith.extui %lt3A_100 : i1 to i32
      %cond3A = arith.constant 0 : i32
      %cond3A_101 = arith.cmpi ne, %convert_element_type3A, %cond3A : i32
      scf.if %cond3A_101 {
        %add3A_136 = arith.constant 2 : i32
        %add3A_137 = arith.addi %mul3A_37, %add3A_136 : i32
        %scan3A_138 = arith.constant 0 : i32
        %scan3A_139 = arith.constant 0 : i32
        %scan3A_140 = arith.constant 8 : i32
        %scan3A_141 = arith.addi %scan3A_139, %scan3A_140 : i32
        %scan3A_142 = arith.constant 1 : i32
        scf.for %scan3A_168 = %scan3A_139 to %scan3A_141 step %scan3A_142  : i32 {
          %mul3A_169 = arith.constant 16 : i32
          %mul3A_170 = arith.muli %scan3A_168, %mul3A_169 : i32
          %get3A = arith.index_cast %add3A_137 : i32 to index
          %get3A_171 = arith.index_cast %mul3A_170 : i32 to index
          %get3A_172 = tpu.vector_load %arg7[%get3A, %get3A_171] {strides = array<i32>} : memref<26x128xi32, #tpu.memory_space<vmem>>, vector<16xi32>,
          %shift_right_logical3A = arith.constant 3 : i32
          %shift_right_logical3A_173 = vector.broadcast %shift_right_logical3A : i32 to vector<16xi32>
          %shift_right_logical3A_174 = arith.shrui %get3A_172, %shift_right_logical3A_173 : vector<16xi32>
          %mul3A_175 = arith.constant 16 : i32
          %mul3A_176 = arith.muli %scan3A_168, %mul3A_175 : i32
          %swap3A = arith.constant 0 : i32
          %swap3A_177 = arith.index_cast %swap3A : i32 to index
          %swap3A_178 = arith.index_cast %mul3A_176 : i32 to index
          %swap3A_179 = tpu.vector_load %arg8[%swap3A_177, %swap3A_178] {strides = array<i32>} : memref<2x128xi32, #tpu.memory_space<vmem>>, vector<16xi32>,
          tpu.vector_store %arg8[%swap3A_177, %swap3A_178], %shift_right_logical3A_174 {strides = array<i32>} : memref<2x128xi32, #tpu.memory_space<vmem>>, vector<16xi32>,
        }
        %scan3A_143 = arith.constant 8 : i32
        %add3A_144 = arith.constant 2 : i32
        %add3A_145 = arith.addi %mul3A_37, %add3A_144 : i32
        %mul3A_146 = arith.constant 128 : i32
        %mul3A_147 = arith.muli %add3A_145, %mul3A_146 : i32
        %dma_start3A_148 = arith.constant 0 : i32
        %dma_start3A_149 = tpu.memref_slice %arg9[%mul3A_147, %dma_start3A_148] : memref<3328x32xf32, #tpu.memory_space<vmem>> -> memref<128x32xf32, #tpu.memory_space<vmem>>
        %dma_start3A_150 = arith.constant 0 : i32
        %dma_start3A_151 = tpu.memref_slice %arg7[%add3A_145, %dma_start3A_150] : memref<26x128xi32, #tpu.memory_space<vmem>> -> memref<1x128xi32, #tpu.memory_space<vmem>>
        %dma_start3A_152 = tpu.memref_squeeze %dma_start3A_151 : memref<1x128xi32, #tpu.memory_space<vmem>> -> memref<128xi32, #tpu.memory_space<vmem>>
        %dma_start3A_153 = arith.constant 0 : i32
        %dma_start3A_154 = arith.constant 0 : i32
        %dma_start3A_155 = tpu.memref_slice %arg3[%dma_start3A_153, %dma_start3A_154] : memref<1000000x32xf32, #tpu.memory_space<hbm>> -> memref<1000000x32xf32, #tpu.memory_space<hbm>>
        tpu.enqueue_indirect_dma source(%dma_start3A_155 : memref<1000000x32xf32, #tpu.memory_space<hbm>>) target(%dma_start3A_149 : memref<128x32xf32, #tpu.memory_space<vmem>>) offsets(%dma_start3A_152 : memref<128xi32, #tpu.memory_space<vmem>>) semaphore(%arg12 : memref<!tpu.dma_semaphore, #tpu.memory_space<semaphore_mem>>)
        %dma_start3A_156 = arith.constant 0 : i32
        %dma_start3A_157 = arith.constant 0 : i32
        %dma_start3A_158 = arith.constant 0 : i32
        %dma_start3A_159 = arith.constant 0 : i32
        %dma_start3A_160 = tpu.memref_slice %arg10[%dma_start3A_157, %dma_start3A_158, %dma_start3A_159] : memref<2x128x8xf32, #tpu.memory_space<vmem>> -> memref<1x128x8xf32, #tpu.memory_space<vmem>>
        %dma_start3A_161 = tpu.memref_squeeze %dma_start3A_160 : memref<1x128x8xf32, #tpu.memory_space<vmem>> -> memref<128x8xf32, #tpu.memory_space<vmem>>
        %dma_start3A_162 = arith.constant 0 : i32
        %dma_start3A_163 = tpu.memref_slice %arg8[%dma_start3A_156, %dma_start3A_162] : memref<2x128xi32, #tpu.memory_space<vmem>> -> memref<1x128xi32, #tpu.memory_space<vmem>>
        %dma_start3A_164 = tpu.memref_squeeze %dma_start3A_163 : memref<1x128xi32, #tpu.memory_space<vmem>> -> memref<128xi32, #tpu.memory_space<vmem>>
        %dma_start3A_165 = arith.constant 0 : i32
        %dma_start3A_166 = arith.constant 0 : i32
        %dma_start3A_167 = tpu.memref_slice %arg4[%dma_start3A_165, %dma_start3A_166] : memref<125000x8xf32, #tpu.memory_space<hbm>> -> memref<125000x8xf32, #tpu.memory_space<hbm>>
        tpu.enqueue_indirect_dma source(%dma_start3A_167 : memref<125000x8xf32, #tpu.memory_space<hbm>>) target(%dma_start3A_161 : memref<128x8xf32, #tpu.memory_space<vmem>>) offsets(%dma_start3A_164 : memref<128xi32, #tpu.memory_space<vmem>>) semaphore(%arg13 : memref<!tpu.dma_semaphore, #tpu.memory_space<semaphore_mem>>)
      } else {
      }
      %add3A_102 = arith.constant 1 : i32
      %add3A_103 = arith.addi %mul3A_37, %add3A_102 : i32
      %mul3A_104 = arith.constant 128 : i32
      %mul3A_105 = arith.muli %add3A_103, %mul3A_104 : i32
      %dma_wait3A_106 = arith.constant 0 : i32
      %dma_wait3A_107 = tpu.memref_slice %arg9[%mul3A_105, %dma_wait3A_106] : memref<3328x32xf32, #tpu.memory_space<vmem>> -> memref<128x32xf32, #tpu.memory_space<vmem>>
      %dma_wait3A_108 = arith.constant 0 : i32
      %dma_wait3A_109 = tpu.memref_slice %arg7[%add3A_103, %dma_wait3A_108] : memref<26x128xi32, #tpu.memory_space<vmem>> -> memref<1x128xi32, #tpu.memory_space<vmem>>
      %dma_wait3A_110 = tpu.memref_squeeze %dma_wait3A_109 : memref<1x128xi32, #tpu.memory_space<vmem>> -> memref<128xi32, #tpu.memory_space<vmem>>
      %dma_wait3A_111 = arith.constant 0 : i32
      %dma_wait3A_112 = arith.constant 0 : i32
      %dma_wait3A_113 = tpu.memref_slice %arg3[%dma_wait3A_111, %dma_wait3A_112] : memref<1000000x32xf32, #tpu.memory_space<hbm>> -> memref<1000000x32xf32, #tpu.memory_space<hbm>>
      tpu.wait_indirect_dma semaphore(%arg12 : memref<!tpu.dma_semaphore, #tpu.memory_space<semaphore_mem>>) src(%dma_wait3A_113 : memref<1000000x32xf32, #tpu.memory_space<hbm>>) dst(%dma_wait3A_107 : memref<128x32xf32, #tpu.memory_space<vmem>>)
      %dma_wait3A_114 = arith.constant 1 : i32
      %dma_wait3A_115 = arith.constant 1 : i32
      %dma_wait3A_116 = arith.constant 0 : i32
      %dma_wait3A_117 = arith.constant 0 : i32
      %dma_wait3A_118 = tpu.memref_slice %arg10[%dma_wait3A_115, %dma_wait3A_116, %dma_wait3A_117] : memref<2x128x8xf32, #tpu.memory_space<vmem>> -> memref<1x128x8xf32, #tpu.memory_space<vmem>>
      %dma_wait3A_119 = tpu.memref_squeeze %dma_wait3A_118 : memref<1x128x8xf32, #tpu.memory_space<vmem>> -> memref<128x8xf32, #tpu.memory_space<vmem>>
      %dma_wait3A_120 = arith.constant 0 : i32
      %dma_wait3A_121 = tpu.memref_slice %arg8[%dma_wait3A_114, %dma_wait3A_120] : memref<2x128xi32, #tpu.memory_space<vmem>> -> memref<1x128xi32, #tpu.memory_space<vmem>>
      %dma_wait3A_122 = tpu.memref_squeeze %dma_wait3A_121 : memref<1x128xi32, #tpu.memory_space<vmem>> -> memref<128xi32, #tpu.memory_space<vmem>>
      %dma_wait3A_123 = arith.constant 0 : i32
      %dma_wait3A_124 = arith.constant 0 : i32
      %dma_wait3A_125 = tpu.memref_slice %arg4[%dma_wait3A_123, %dma_wait3A_124] : memref<125000x8xf32, #tpu.memory_space<hbm>> -> memref<125000x8xf32, #tpu.memory_space<hbm>>
      tpu.wait_indirect_dma semaphore(%arg13 : memref<!tpu.dma_semaphore, #tpu.memory_space<semaphore_mem>>) src(%dma_wait3A_125 : memref<125000x8xf32, #tpu.memory_space<hbm>>) dst(%dma_wait3A_119 : memref<128x8xf32, #tpu.memory_space<vmem>>)
      %add3A_126 = arith.constant 1 : i32
      %add3A_127 = arith.addi %mul3A_37, %add3A_126 : i32
      %broadcast_in_dim3A_128 = arith.constant 1 : i32
      %broadcast_in_dim3A_129 = vector.broadcast %broadcast_in_dim3A_128 : i32 to vector<16xi32>
      %scan3A_130 = arith.constant 0 : i32
      %scan3A_131 = arith.constant 0 : i32
      %scan3A_132 = arith.constant 8 : i32
      %scan3A_133 = arith.addi %scan3A_131, %scan3A_132 : i32
      %scan3A_134 = arith.constant 1 : i32
      scf.for %scan3A_136 = %scan3A_131 to %scan3A_133 step %scan3A_134  : i32 {
        %mul3A_137 = arith.constant 16 : i32
        %mul3A_138 = arith.muli %scan3A_136, %mul3A_137 : i32
        %get3A = arith.index_cast %add3A_127 : i32 to index
        %get3A_139 = arith.index_cast %mul3A_138 : i32 to index
        %get3A_140 = tpu.vector_load %arg7[%get3A, %get3A_139] {strides = array<i32>} : memref<26x128xi32, #tpu.memory_space<vmem>>, vector<16xi32>,
        %mul3A_141 = arith.constant 16 : i32
        %mul3A_142 = arith.muli %scan3A_136, %mul3A_141 : i32
        %add3A_143 = vector.broadcast %mul3A_142 : i32 to vector<16xi32>
        %add3A_144 = arith.addi %iota3A, %add3A_143 : vector<16xi32>
        %and3A = arith.constant 7 : i32
        %and3A_145 = vector.broadcast %and3A : i32 to vector<16xi32>
        %and3A_146 = arith.andi %get3A_140, %and3A_145 : vector<16xi32>
        %gather3A = tpu.vector_load_idx %arg10[%broadcast_in_dim3A_129, %add3A_144, %and3A_146] : memref<2x128x8xf32, #tpu.memory_space<vmem>>[vector<16xi32>, vector<16xi32>, vector<16xi32>], vector<16xf32>,
        %mul3A_147 = arith.constant 128 : i32
        %mul3A_148 = arith.muli %add3A_127, %mul3A_147 : i32
        %mul3A_149 = arith.constant 16 : i32
        %mul3A_150 = arith.muli %scan3A_136, %mul3A_149 : i32
        %add3A_151 = arith.addi %mul3A_148, %mul3A_150 : i32
        %swap3A = arith.index_cast %add3A_151 : i32 to index
        %swap3A_152 = tpu.vector_load %arg11[%swap3A] {strides = array<i32>} : memref<3328xf32, #tpu.memory_space<vmem>>, vector<16xf32>,
        tpu.vector_store %arg11[%swap3A], %gather3A {strides = array<i32>} : memref<3328xf32, #tpu.memory_space<vmem>>, vector<16xf32>,
      }
      %scan3A_135 = arith.constant 8 : i32
    }
    %scan3A_34 = arith.constant 13 : i32
    "tpu.region"() ({
      %run_scoped3A = tpu.sem_alloc : memref<!tpu.dma_semaphore, #tpu.memory_space<semaphore_mem>>
      %dma_start3A_35 = arith.constant 0 : i32
      %dma_start3A_36 = tpu.memref_slice %arg5[%mul3A_2, %dma_start3A_35] : memref<106496x32xf32, #tpu.memory_space<hbm>> -> memref<3328x32xf32, #tpu.memory_space<hbm>>
      %dma_start3A_37 = arith.constant 0 : i32
      %dma_start3A_38 = tpu.memref_slice %arg5[%mul3A_2, %dma_start3A_37] : memref<106496x32xf32, #tpu.memory_space<hbm>> -> memref<3328x32xf32, #tpu.memory_space<hbm>>
      tpu.enqueue_dma source(%arg9 : memref<3328x32xf32, #tpu.memory_space<vmem>>) target(%dma_start3A_38 : memref<3328x32xf32, #tpu.memory_space<hbm>>) target_semaphore(%run_scoped3A : memref<!tpu.dma_semaphore, #tpu.memory_space<semaphore_mem>>)
      %dma_wait3A = arith.constant 0 : i32
      %dma_wait3A_39 = tpu.memref_slice %arg5[%mul3A_2, %dma_wait3A] : memref<106496x32xf32, #tpu.memory_space<hbm>> -> memref<3328x32xf32, #tpu.memory_space<hbm>>
      %dma_wait3A_40 = arith.constant 0 : i32
      %dma_wait3A_41 = tpu.memref_slice %arg5[%mul3A_2, %dma_wait3A_40] : memref<106496x32xf32, #tpu.memory_space<hbm>> -> memref<3328x32xf32, #tpu.memory_space<hbm>>
      tpu.wait_dma2 semaphore(%run_scoped3A : memref<!tpu.dma_semaphore, #tpu.memory_space<semaphore_mem>>) src(%arg9 : memref<3328x32xf32, #tpu.memory_space<vmem>>) dst(%dma_wait3A_41 : memref<3328x32xf32, #tpu.memory_space<hbm>>)
      tpu.yield
    }) : () -> ()
    "tpu.region"() ({
      %run_scoped3A = tpu.sem_alloc : memref<!tpu.dma_semaphore, #tpu.memory_space<semaphore_mem>>
      %dma_start3A_35 = tpu.memref_slice %arg6[%mul3A_2] : memref<106496xf32, #tpu.memory_space<hbm>> -> memref<3328xf32, #tpu.memory_space<hbm>>
      %dma_start3A_36 = tpu.memref_slice %arg6[%mul3A_2] : memref<106496xf32, #tpu.memory_space<hbm>> -> memref<3328xf32, #tpu.memory_space<hbm>>
      tpu.enqueue_dma source(%arg11 : memref<3328xf32, #tpu.memory_space<vmem>>) target(%dma_start3A_36 : memref<3328xf32, #tpu.memory_space<hbm>>) target_semaphore(%run_scoped3A : memref<!tpu.dma_semaphore, #tpu.memory_space<semaphore_mem>>)
      %dma_wait3A = tpu.memref_slice %arg6[%mul3A_2] : memref<106496xf32, #tpu.memory_space<hbm>> -> memref<3328xf32, #tpu.memory_space<hbm>>
      %dma_wait3A_37 = tpu.memref_slice %arg6[%mul3A_2] : memref<106496xf32, #tpu.memory_space<hbm>> -> memref<3328xf32, #tpu.memory_space<hbm>>
      tpu.wait_dma2 semaphore(%run_scoped3A : memref<!tpu.dma_semaphore, #tpu.memory_space<semaphore_mem>>) src(%arg11 : memref<3328xf32, #tpu.memory_space<vmem>>) dst(%dma_wait3A_37 : memref<3328xf32, #tpu.memory_space<hbm>>)
      tpu.yield
    }) : () -> ()
    return
  }
}

</mosaic_0001>

<sc_bundles>
// kernel: kernel.3.cloned.1.call-start
scs
__scs_entry_jumppad:
0x0: {  	(pc) =	sbr.rel $0x88, $3  }
0x1: {  	(tag) =	ssettag $0x0;
	lr =	simm.s32 $0x1  }
0x2: {  	[smem:$0x3F9F] =	sst lr;
	_ =	strace $0xD0000000  }
0x3: {  	_ = 	snop  }
0x4: {  	_ = 	snop  }
0x5: {  	_ = 	snop  }
0x6: {  	_ = 	snop  }
0x7: {  	_ = 	snop  }
__scs_overlays_trampoline_lowered:
0x8: {  	[smem:$0x3FAE] =	sst s0  }
0x9: {  	[smem:$0x3FAF] =	sst s1  }
0xa: {  	[smem:$0x3FB0] =	sst s2  }
0xb: {  	[smem:$0x3FB1] =	sst s3  }
0xc: {  	[smem:$0x3FB2] =	sst s4  }
0xd: {  	[smem:$0x3FB3] =	sst s5  }
0xe: {  	[smem:$0x3FB4] =	sst s6  }
0xf: {  	[smem:$0x3FB5] =	sst s7  }
0x10: {  	[smem:$0x3FB6] =	sst s8  }
0x11: {  	[smem:$0x3FB7] =	sst s9;
	s0 =	simm.s32 @!p0 $0x0  }
0x12: {  	s1 =	sld [smem:$0x3F9D];
	s0 =	simm.s32 @p0 $0x1  }
0x13: {  	[smem:$0x3FB8] =	sst s0;
	s0 =	simm.s32 @!p1 $0x0  }
0x14: {  	s2 =	sld [smem:$0x3F9C];
	s0 =	simm.s32 @p1 $0x1  }
0x15: {  	[smem:$0x3FB9] =	sst s0;
	s0 =	simm.s32 @!p2 $0x0  }
0x16: {  	s3 =	sld [smem:$0x3FDB];
	s0 =	simm.s32 @p2 $0x1  }
0x17: {  	s4 =	simm.s32 $0x1BF5;
	[smem:$0x3FBB] =	sst s0  }
0x18: {  	s0 =	sld [smem:$0x3F9E];
	_ =	swait.ge [sflag:s4], $0x0  }
0x19: {  	s7 =	sld [smem:$0x3F9F]  }
0x1a: {  	s8 =	sadd.s32 $0xFFFFE003, lr  }
0x1b: {  	s9 =	sadd.s32 $0xFFFFFEF7, lr;
	s5 =	simm.s32 $0xFFFFFFFF;
	p2 =	slt.u32 s8, $0xFFFFF086  }
0x1c: {  	p1 =	slt.u32 s9, $0xF7A;
	s5 =	simm.s32 @!p2 $0x0  }
0x1d: {  	s5 =	simm.s32 @p1 $0x1;
	p0 =	seq.s32 s7, s2  }
0x1e: {  	s7 =	smul.u32 @!p0 $0xF7A, s2;
	p2 =	seq.s32 @!p0 s5, $0x0  }
0x1f: {  	s9 =	smul.u32 $0xF7A, s1;
	s8 =	simm.s32 @!p0 $0x1BF5;
	p2 =	por !p2, p0  }
0x20: {  	[sflag:s8] =	ssyncset.s32 @!p0 $0xFFFFF086;
	s6 =	sadd.s32 @!p0 s3, s7;
	s7 =	simm.s32 @!p0 $0x108  }
0x21: {  	s3 =	sadd.s32 s3, s9;
	s6 =	sadd.s32 @!p0 $0x88, s6;
	s7 =	simm.s32 @p2 $0x1082  }
0x22: {  	[simem:s7], [sflag:s8] =	dma.local @!p0 [hbm:s6], $0xF7A  }
0x23: {  	s9 =	sor.u32 $0xD0000000, s2;
	s6 =	simm.s32 $0x108;
	_ =	swait.ge @!p0 [sflag:s8], $0x0  }
0x24: {  	s3 =	sadd.s32 $0x88, s3;
	s6 =	simm.s32 @!p1 $0x1082;
	[sflag:s4] =	ssyncset.s32 $0xFFFFF086  }
0x25: {  	[simem:s6], [sflag:s4] =	dma.local [hbm:s3], $0xF7A  }
0x26: {  	[smem:$0x3F9F] =	sst s1;
	(tag) =	ssettag s2;
	_ =	strace s9  }
0x27: {  	s1 =	sld [smem:$0x3FAF]  }
0x28: {  	s2 =	sld [smem:$0x3FB0]  }
0x29: {  	s4 =	sld [smem:$0x3FB2]  }
0x2a: {  	p0 =	seq.s32 s5, $0x0;
	s5 =	sld [smem:$0x3FB3]  }
0x2b: {  	s6 =	sld [smem:$0x3FB4]  }
0x2c: {  	s7 =	sld [smem:$0x3FB5]  }
0x2d: {  	s3 =	simm.s32 $0x108;
	s8 =	sld [smem:$0x3FB6]  }
0x2e: {  	s3 =	simm.s32 @!p0 $0x1082;
	s9 =	sld [smem:$0x3FB7]  }
0x2f: {  	lr =	sadd.s32 s0, s3;
	s0 =	sld [smem:$0x3FAE]  }
0x30: {  	s3 =	sld [smem:$0x3FB1]  }
0x31: {  	[smem:$0x3FBA] =	sst s10  }
0x32: {  	s10 =	sld [smem:$0x3FB8];
	_ =	sdelay $0x3  }
0x33: {  	p0 =	seq.s32 s10, $0x1;
	s10 =	sld [smem:$0x3FBA];
	_ =	sdelay $0x3  }
0x34: {  	[smem:$0x3FBA] =	sst s10  }
0x35: {  	s10 =	sld [smem:$0x3FB9];
	_ =	sdelay $0x3  }
0x36: {  	p1 =	seq.s32 s10, $0x1;
	s10 =	sld [smem:$0x3FBA];
	_ =	sdelay $0x3  }
0x37: {  	[smem:$0x3FBA] =	sst s10  }
0x38: {  	s10 =	sld [smem:$0x3FBB]  }
0x39: {  	_ = 	snop;
	(pc) =	sbr.ind lr, $3  }
0x3a: {  	_ = 	snop  }
0x3b: {  	_ = 	snop  }
0x3c: {  	p2 =	seq.s32 s10, $0x1;
	s10 =	sld [smem:$0x3FBA]  }
0x3d: {  	_ =	shalt  }
0x3e: {  	_ =	shalt  }
0x3f: {  	_ =	shalt  }
0x40: {  	_ =	shalt  }
0x41: {  	_ =	shalt  }
0x42: {  	_ =	shalt  }
0x43: {  	_ =	shalt  }
0x44: {  	_ =	shalt  }
0x45: {  	_ =	shalt  }
0x46: {  	_ =	shalt  }
0x47: {  	_ =	shalt  }
0x48: {  	_ =	shalt  }
0x49: {  	_ =	shalt  }
0x4a: {  	_ =	shalt  }
0x4b: {  	_ =	shalt  }
0x4c: {  	_ =	shalt  }
0x4d: {  	_ =	shalt  }
0x4e: {  	_ =	shalt  }
0x4f: {  	_ =	shalt  }
0x50: {  	_ =	shalt  }
0x51: {  	_ =	shalt  }
0x52: {  	_ =	shalt  }
0x53: {  	_ =	shalt  }
0x54: {  	_ =	shalt  }
0x55: {  	_ =	shalt  }
0x56: {  	_ =	shalt  }
0x57: {  	_ =	shalt  }
0x58: {  	_ =	shalt  }
0x59: {  	_ =	shalt  }
0x5a: {  	_ =	shalt  }
0x5b: {  	_ =	shalt  }
0x5c: {  	_ =	shalt  }
0x5d: {  	_ =	shalt  }
0x5e: {  	_ =	shalt  }
0x5f: {  	_ =	shalt  }
0x60: {  	_ =	shalt  }
0x61: {  	_ =	shalt  }
0x62: {  	_ =	shalt  }
0x63: {  	_ =	shalt  }
0x64: {  	_ =	shalt  }
0x65: {  	_ =	shalt  }
0x66: {  	_ =	shalt  }
0x67: {  	_ =	shalt  }
0x68: {  	_ =	shalt  }
0x69: {  	_ =	shalt  }
0x6a: {  	_ =	shalt  }
0x6b: {  	_ =	shalt  }
0x6c: {  	_ =	shalt  }
0x6d: {  	_ =	shalt  }
0x6e: {  	_ =	shalt  }
0x6f: {  	_ =	shalt  }
0x70: {  	_ =	shalt  }
0x71: {  	_ =	shalt  }
0x72: {  	_ =	shalt  }
0x73: {  	_ =	shalt  }
0x74: {  	_ =	shalt  }
0x75: {  	_ =	shalt  }
0x76: {  	_ =	shalt  }
0x77: {  	_ =	shalt  }
0x78: {  	_ =	shalt  }
0x79: {  	_ =	shalt  }
0x7a: {  	_ =	shalt  }
0x7b: {  	_ =	shalt  }
0x7c: {  	_ =	shalt  }
0x7d: {  	_ =	shalt  }
0x7e: {  	_ =	shalt  }
0x7f: {  	_ =	shalt  }
0x80: {  	_ =	shalt  }
0x81: {  	_ =	shalt  }
0x82: {  	_ =	shalt  }
0x83: {  	_ =	shalt  }
0x84: {  	_ =	shalt  }
0x85: {  	_ =	shalt  }
0x86: {  	_ =	shalt  }
0x87: {  	_ =	shalt  }
.Lfunc_end0:
.L_simem_size_0:
called_computation.1_lowered:
.L_overlay_start_0:
0x88: {  	s2 =	sld [smem:$0x3FD9]  }
0x89: {  	s3 =	sld [smem:$0x3FFE];
	_ =	sdelay $0x1  }
0x8a: {  	s1 =	srdreg.scid  }
0x8b: {  	s0 =	sand.u32 $0x1, s1  }
0x8c: {  	s14 =	sshll.u32 s0, $0xA;
	s2 =	sadd.s32 s3, s2  }
0x8d: {  	s2 =	sadd.s32 s2, s14  }
0x8e: {  	[smem:$0x3FC6] =	sst s2  }
0x8f: {  	_ = 	snop  }
0x90: {  	s2 =	sld [smem:$0x3FD0];
	_ =	sdelay $0x2  }
0x91: {  	s15 =	simm.s32 $0xA;
	s4 =	simm.s32 $0x10  }
0x92: {  	[smem:s4], [sflag:s15] =	dma.local [hbm:s2], $0x1  }
0x93: {  	_ =	swait.eq [sflag:s15], $0x1  }
0x94: {  	[sflag:s15] =	ssyncset.done $0x0  }
0x95: {  	s16 =	sld [smem:$0x10];
	[sflag:s15] =	ssyncadd.s32 $0xFFFFFFFF  }
0x96: {  	s17 =	sld [smem:$0x11];
	(tm) =	ssettm $0x1  }
0x97: {  	s18 =	sld [smem:$0x3FFB];
	_ =	sdelay $0x3  }
0x98: {  	_ =	strace s18  }
0x99: {  	s4 =	sld [smem:$0x3FFC];
	_ =	sdelay $0x3  }
0x9a: {  	_ =	strace s4  }
0x9b: {  	s4 =	sld [smem:$0x3FFD];
	_ =	sdelay $0x3  }
0x9c: {  	_ =	strace s4  }
0x9d: {  	_ =	strace $0x8FFFFFFF  }
0x9e: {  	s19 =	sld [smem:$0x3FDB];
	_ =	sdelay $0x1  }
0x9f: {  	s5 =	simm.s32 $_scs_section_size  }
0xa0: {  	s6 =	simm.s32 $_size__tile_overlayer_lowered;
	s7 =	simm.s32 $_tile_overlayer_lowered  }
0xa1: {  	s22 =	simm.s32 $0x1BFF;
	s21 =	sshll.u32 s7, $0x1;
	s4 =	sadd.s32 s5, s19  }
0xa2: {  	s8 =	simm.s32 $0x0;
	s20 =	sshll.u32 s6, $0x1;
	s6 =	sadd.s32 s21, s4  }
0xa3: {  	[timem:s8], [sflag:s22] =	dma.local [hbm:s6], s20  }
0xa4: {  	_ =	swait.ge [sflag:s22], s20  }
0xa5: {  	s5 =	ssub.s32 $0x0, s20;
	[sflag:s22] =	ssyncset.done $0x0  }
0xa6: {  	[sflag:s22] =	ssyncadd.s32 s5;
	_ =	sdelay $0x1  }
0xa7: {  	s23 =	simm.s32 $0x1B8B  }
0xa8: {  	_ =	swait.ge [sflag:s23], $0x1  }
0xa9: {  	[sflag:s23] =	ssyncset.done $0x0  }
0xaa: {  	s25 =	simm.s32 $0x1B8E;
	s24 =	sld [smem:$0x3FFE];
	[sflag:s23] =	ssyncadd.s32 $0xFFFFFFFF  }
0xab: {  	s26 =	simm.s32 $execute0_lowered;
	[smem:$0x3FD2] =	sst s25  }
0xac: {  	s6 =	sshll.u32 s26, $0x1;
	_ =	strace $0x80000049;
	[dreg:$0x1] =	wrdreg $0xFFFFFFFF  }
0xad: {  	s28 =	simm.s32 $_size_execute0_lowered;
	s4 =	sadd.s32 s4, s6;
	[dreg:$0x0] =	wrdreg $0x0  }
0xae: {  	s6 =	sshll.u32 s28, $0x1;
	[dreg:$0x2] =	wrdreg s4  }
0xaf: {  	[dreg:$0x3] =	wrdreg s6  }
0xb0: {  	[dreg:$0x4] =	wrdreg $0xC0  }
0xb1: {  	_ =	task [dreg:s8], $0x5FFFF  }
0xb2: {  	[dreg:$0x1] =	wrdreg $0xFFFFFFFF  }
0xb3: {  	[dreg:$0x0] =	wrdreg $0x60  }
0xb4: {  	[dreg:$0x2] =	wrdreg s17  }
0xb5: {  	[dreg:$0x3] =	wrdreg s24  }
0xb6: {  	[dreg:$0x4] =	wrdreg s16  }
0xb7: {  	[dreg:$0x5] =	wrdreg $0x9  }
0xb8: {  	_ =	task.clear_ibuf [dreg:s8], $0x6FFFF;
	_ =	strace $0x90000049  }
0xb9: {  	s29 =	simm.s32 $0x9;
	_ =	strace $0x8000004B  }
0xba: {  	_ =	swait.ge [sflag:s29], $0x1  }
0xbb: {  	[sflag:s29] =	ssyncadd.s32 $0xFFFFFFFF  }
0xbc: {  	_ =	strace $0x9000004B  }
0xbd: {  	_ =	sfence  }
0xbe: {  	s30 =	sld [smem:$0x0];
	_ =	sdelay $0x2  }
0xbf: {  	s31 =	sshll.u32 s1, $0xD;
	s1 =	sshrl.u32 s1, $0x2  }
0xc0: {  	s3 =	sand.u32 $0x4000, s31;
	s1 =	sadd.s32 s1, s30  }
0xc1: {  	s0 =	sor.u32 s3, s0;
	s1 =	sshll.u32 s1, $0x11  }
0xc2: {  	s0 =	sor.u32 s1, s0  }
0xc3: {  	s0 =	sadd.s32 $0x8F2B, s0  }
0xc4: {  	[sflag:s0] =	ssyncadd.remote.s32 $0x1  }
0xc5: {  	_ =	sfence.sel $0xFFFF  }
0xc6: {  	[dreg:$0x0] =	wrdreg $0xFFFFFFFF;
	(pc) =	sbr.abs _section_cstart, $3  }
0xc7: {  	[dreg:$0x1] =	wrdreg $0xFFFFFFFF  }
0xc8: {  	_ =	task.clear_ibuf [dreg:s8], $0x2FFFF;
	_ =	strace $0x9FFFFFFF  }
0xc9: {  	(tm) =	ssettm $0x7FFFFFFF  }
tec
execute0_lowered:
.L_overlay_start_1:
0x0: {  	(tag) =	ssettag $0x1  }
0x1: {  	s5 =	rddreg [dreg:$0x0]  }
0x2: {  	s6 =	rddreg [dreg:$0x1]  }
0x3: {  	s7 =	rddreg [dreg:$0x2]  }
0x4: {  	s0 =	rddreg [dreg:$0x3];
	s3 =	srdreg.scid  }
0x5: {  	s1 =	stileid.u32;
	s2 =	simm.s32 $0x0;
	s13 =	simm.s32 $0x80  }
0x6: {  	s14 =	simm.s32 $0xD80;
	s15 =	simm.s32 $0x1B200;
	s16 =	simm.s32 $0x1  }
0x7: {  	s17 =	simm.s32 $0x2;
	s18 =	simm.s32 $0x1B600;
	s19 =	simm.s32 $0x0  }
0x8: {  	s3 =	sand.u32 $0x1, s3;
	s4 =	sshll.u32 s1, $0x1;
	[smem:$0x7FF] =	sst s2  }
0x9: {  	s4 =	sor.u32 s3, s4;
	_ =	strace $0x8000004A;
	s9 =	ssub.s32 $0x2, s3  }
0xa: {  	s3 =	sadd.s32 $0xC00, s6;
	s8 =	smul.u32 $0x1A0, s4;
	s10 =	sshrl.u32 s9, $0x1  }
0xb: {  	s11 =	smul.u32 $0x3400, s4;
	s4 =	sadd.s32 $0x1313A00, s6;
	s9 =	ssub.s32 s9, s10  }
0xc: {  	s10 =	simm.s32 $0xE00;
	s12 =	sadd.s32 s8, s6;
	s5 =	sadd.s32 s5, s8  }
0xd: {  	v0 =	vlaneseq.u32;
	s6 =	sadd.s32 s7, s11;
	s8 =	smax.u32 s9, $0x1;
	s9 =	simm.s32 $0x3  }
0xe: {  	v0 =	vmul.u32 $0x8, v0;
	s11 =	simm.s32 $0xD00;
	s7 =	sadd.s32 $0x3D1600, s12;
	s12 =	simm.s32 $0x1AE00  }
.LBB2_1:
0xf: {  	[tilespmem:s2], [sflag:$0x3] =	stream.linear.gather [hbm4b:s5+s2], $0xD00, $0x38;
	[tilespmem:$0x1C300] =	vst v63  }
0x10: {  	_ =	swait.ge [sflag:s9], $0xD00  }
0x11: {  	[sflag:s9] =	ssyncset.done $0x0  }
0x12: {  	[sflag:s9] =	ssyncadd.s32 $0xFFFFF300  }
0x13: {  	v1 =	vld [tilespmem:$0x0]  }
0x14: {  	v2 =	vld [tilespmem:$0x10]  }
0x15: {  	v3 =	vld [tilespmem:$0x20]  }
0x16: {  	v4 =	vld [tilespmem:$0x30]  }
0x17: {  	v5 =	vld [tilespmem:$0x40]  }
0x18: {  	v6 =	vld [tilespmem:$0x50];
	v1 =	vshrl.u32 v1, $0x3  }
0x19: {  	[tilespmem:$0xD00] =	vst v1;
	v1 =	vshrl.u32 v2, $0x3;
	v2 =	vld [tilespmem:$0x60]  }
0x1a: {  	[tilespmem:$0xD10] =	vst v1;
	v1 =	vshrl.u32 v3, $0x3;
	v3 =	vld [tilespmem:$0x70]  }
0x1b: {  	[tilespmem:$0xD20] =	vst v1;
	v1 =	vshrl.u32 v4, $0x3  }
0x1c: {  	[tilespmem:$0xD30] =	vst v1;
	v1 =	vshrl.u32 v5, $0x3  }
0x1d: {  	[tilespmem:$0xD40] =	vst v1;
	v1 =	vshrl.u32 v6, $0x3  }
0x1e: {  	[tilespmem:$0xD50] =	vst v1;
	v1 =	vshrl.u32 v2, $0x3  }
0x1f: {  	[tilespmem:$0xD60] =	vst v1;
	v1 =	vshrl.u32 v3, $0x3  }
0x20: {  	s20 =	simm.s32 $0x1B680;
	s21 =	simm.s32 $0x80;
	[tilespmem:$0xD70] =	vst v1  }
0x21: {  	[tilespmem:s10], [sflag:$0x1] =	stream.indirect.gather [hbm4b:s3+s13], $0x20, s2, s13, $0xb8;
	[tilespmem:$0x1C300] =	vst v63  }
0x22: {  	s22 =	simm.s32 $0x0;
	s23 =	simm.s32 $0x1B600;
	s24 =	simm.s32 $0x0  }
0x23: {  	[tilespmem:s12], [sflag:$0x2] =	stream.indirect.gather [hbm4b:s4+s13], $0x8, s11, s13, $0xb8;
	[tilespmem:$0x1C300] =	vst v63  }
.LBB2_2:
0x24: {  	s25 =	sshllo.u32 s24, $0x1  }
0x25: {  	s26 =	sshll.u32 s25, $0x7  }
0x26: {  	s28 =	sand.u32 $0x3FFFFF80, s26  }
0x27: {  	v1 =	vld [tilespmem:s28+$0x0];
	_ =	sdelay $0x4  }
0x28: {  	v1 =	vshrl.u32 v1, $0x3  }
0x29: {  	[tilespmem:$0xD80] =	vst v1  }
0x2a: {  	v1 =	vld [tilespmem:s28+$0x10];
	_ =	sdelay $0x4  }
0x2b: {  	v1 =	vshrl.u32 v1, $0x3  }
0x2c: {  	[tilespmem:$0xD90] =	vst v1  }
0x2d: {  	v1 =	vld [tilespmem:s28+$0x20];
	_ =	sdelay $0x4  }
0x2e: {  	v1 =	vshrl.u32 v1, $0x3  }
0x2f: {  	[tilespmem:$0xDA0] =	vst v1  }
0x30: {  	v1 =	vld [tilespmem:s28+$0x30];
	_ =	sdelay $0x4  }
0x31: {  	v1 =	vshrl.u32 v1, $0x3  }
0x32: {  	[tilespmem:$0xDB0] =	vst v1  }
0x33: {  	v1 =	vld [tilespmem:s28+$0x40];
	_ =	sdelay $0x4  }
0x34: {  	v1 =	vshrl.u32 v1, $0x3  }
0x35: {  	[tilespmem:$0xDC0] =	vst v1  }
0x36: {  	v1 =	vld [tilespmem:s28+$0x50];
	_ =	sdelay $0x4  }
0x37: {  	v1 =	vshrl.u32 v1, $0x3  }
0x38: {  	[tilespmem:$0xDD0] =	vst v1  }
0x39: {  	v1 =	vld [tilespmem:s28+$0x60];
	_ =	sdelay $0x4  }
0x3a: {  	v1 =	vshrl.u32 v1, $0x3  }
0x3b: {  	[tilespmem:$0xDE0] =	vst v1  }
0x3c: {  	v1 =	vld [tilespmem:s28+$0x70];
	_ =	sdelay $0x3  }
0x3d: {  	s25 =	sshll.u32 s25, $0xC  }
0x3e: {  	s25 =	sand.u32 $0x3FFFF000, s25;
	v1 =	vshrl.u32 v1, $0x3  }
0x3f: {  	s25 =	sor.u32 $0xE00, s25;
	[tilespmem:$0xDF0] =	vst v1  }
0x40: {  	[tilespmem:s25], [sflag:$0x1] =	stream.indirect.gather [hbm4b:s3+s13], $0x20, s26, s13, $0xb8;
	[tilespmem:$0x1C300] =	vst v63  }
0x41: {  	_ = 	snop  }
0x42: {  	[tilespmem:s15], [sflag:$0x2] =	stream.indirect.gather [hbm4b:s4+s13], $0x8, s14, s13, $0xb8;
	[tilespmem:$0x1C300] =	vst v63  }
0x43: {  	_ =	swait.ge [sflag:s16], $0x1000  }
0x44: {  	[sflag:s16] =	ssyncset.done $0x0  }
0x45: {  	[sflag:s16] =	ssyncadd.s32 $0xFFFFF000  }
0x46: {  	_ =	swait.ge [sflag:s17], $0x400  }
0x47: {  	[sflag:s17] =	ssyncset.done $0x0  }
0x48: {  	[sflag:s17] =	ssyncadd.s32 $0xFFFFFC00  }
0x49: {  	v1 =	vld [tilespmem:s22+$0x0];
	_ =	sdelay $0x1  }
0x4a: {  	s31 =	simm.s32 $0x0  }
0x4b: {  	v2 =	vmov s31  }
0x4c: {  	v2 =	vshll.u32 v2, $0x3  }
0x4d: {  	v2 =	vor.u32 v0, v2;
	v1 =	vand.u32 $0x7, v1  }
0x4e: {  	v1 =	vor.u32 v2, v1;
	_ =	sdelay $0x4  }
0x4f: {  	v1 =	vld.idx.msk [tilespmem:v1+s12+$0x0], $0xffff;
	_ =	sdelay $0x4  }
0x50: {  	s29 =	simm.s32 $0x10;
	s28 =	sadd.s32 $0x10, s22;
	[tilespmem:s23+$0x0] =	vst v1  }
0x51: {  	s30 =	simm.s32 $0x20;
	s25 =	sshll.u32 s24, $0x1;
	s26 =	smov.u32 s23;
	v1 =	vld [tilespmem:s28+$0x0]  }
.LBB2_3:
0x52: {  	p0 =	sne.s32 s30, $0x70;
	_ =	sdelay $0x1  }
0x53: {  	v2 =	vmov s29;
	s29 =	smov.u32 s30  }
0x54: {  	v2 =	vshll.u32 v2, $0x3  }
0x55: {  	v2 =	vor.u32 v0, v2;
	v1 =	vand.u32 $0x7, v1  }
0x56: {  	v1 =	vor.u32 v2, v1;
	_ =	sdelay $0x4  }
0x57: {  	v1 =	vld.idx.msk [tilespmem:v1+s12+$0x0], $0xffff;
	_ =	sdelay $0x2  }
.Ltmp0:
0x58: {  	(pc) =	sbr.rel @p0 .LBB2_3-.Ltmp0, $4  }
0x59: {  	_ = 	snop  }
0x5a: {  	s26 =	sadd.s32 $0x10, s26  }
0x5b: {  	s28 =	sadd.s32 $0x10, s28;
	[tilespmem:s26+$0x0] =	vst v1  }
0x5c: {  	s30 =	sadd.s32 $0x10, s30;
	v1 =	vld [tilespmem:s28+$0x0]  }
0x5d: {  	_ =	sdelay $0x1  }
0x5e: {  	v2 =	vmov s29  }
0x5f: {  	v2 =	vshll.u32 v2, $0x3  }
0x60: {  	v2 =	vor.u32 v0, v2;
	v1 =	vand.u32 $0x7, v1  }
0x61: {  	v1 =	vor.u32 v2, v1;
	_ =	sdelay $0x4  }
0x62: {  	v1 =	vld.idx.msk [tilespmem:v1+s12+$0x0], $0xffff;
	_ =	sdelay $0x1  }
0x63: {  	p0 =	seq.s32 s24, $0xC  }
0x64: {  	s25 =	sadd.s32 @!p0 $0x2, s25  }
0x65: {  	s26 =	sadd.s32 $0x10, s26;
	s28 =	sshll.u32 @!p0 s25, $0x7  }
0x66: {  	[tilespmem:s26+$0x0] =	vst v1;
	s26 =	sand.u32 @!p0 $0x3FFFFF80, s28  }
0x67: {  	v1 =	vld @!p0 [tilespmem:s26+$0x0];
	_ =	sdelay $0x4  }
0x68: {  	v1 =	vshrl.u32 @!p0 v1, $0x3  }
0x69: {  	[tilespmem:$0xD00] =	vst @!p0 v1  }
0x6a: {  	v1 =	vld @!p0 [tilespmem:s26+$0x10];
	_ =	sdelay $0x4  }
0x6b: {  	v1 =	vshrl.u32 @!p0 v1, $0x3  }
0x6c: {  	[tilespmem:$0xD10] =	vst @!p0 v1  }
0x6d: {  	v1 =	vld @!p0 [tilespmem:s26+$0x20];
	_ =	sdelay $0x4  }
0x6e: {  	v1 =	vshrl.u32 @!p0 v1, $0x3  }
0x6f: {  	[tilespmem:$0xD20] =	vst @!p0 v1  }
0x70: {  	v1 =	vld @!p0 [tilespmem:s26+$0x30];
	_ =	sdelay $0x4  }
0x71: {  	v1 =	vshrl.u32 @!p0 v1, $0x3  }
0x72: {  	[tilespmem:$0xD30] =	vst @!p0 v1  }
0x73: {  	v1 =	vld @!p0 [tilespmem:s26+$0x40];
	_ =	sdelay $0x4  }
0x74: {  	v1 =	vshrl.u32 @!p0 v1, $0x3  }
0x75: {  	[tilespmem:$0xD40] =	vst @!p0 v1  }
0x76: {  	v1 =	vld @!p0 [tilespmem:s26+$0x50];
	_ =	sdelay $0x4  }
0x77: {  	v1 =	vshrl.u32 @!p0 v1, $0x3  }
0x78: {  	[tilespmem:$0xD50] =	vst @!p0 v1  }
0x79: {  	v1 =	vld @!p0 [tilespmem:s26+$0x60];
	_ =	sdelay $0x4  }
0x7a: {  	v1 =	vshrl.u32 @!p0 v1, $0x3  }
0x7b: {  	[tilespmem:$0xD60] =	vst @!p0 v1  }
0x7c: {  	v1 =	vld @!p0 [tilespmem:s26+$0x70];
	_ =	sdelay $0x3  }
0x7d: {  	s25 =	sshll.u32 @!p0 s25, $0xC  }
0x7e: {  	s25 =	sand.u32 @!p0 $0x3FFFF000, s25;
	v1 =	vshrl.u32 @!p0 v1, $0x3  }
0x7f: {  	s25 =	sor.u32 @!p0 $0xE00, s25;
	s28 =	simm.s32 @!p0 $0x80;
	[tilespmem:$0xD70] =	vst @!p0 v1  }
0x80: {  	[tilespmem:s25], [sflag:$0x1] =	stream.indirect.gather @!p0 [hbm4b:s3+s28], $0x20, s26, s28, $0xb8;
	[tilespmem:$0x1C300] =	vst v63  }
0x81: {  	s25 =	simm.s32 @!p0 $0xD00;
	s26 =	simm.s32 @!p0 $0x1AE00  }
0x82: {  	[tilespmem:s26], [sflag:$0x2] =	stream.indirect.gather @!p0 [hbm4b:s4+s28], $0x8, s25, s28, $0xb8;
	[tilespmem:$0x1C300] =	vst v63  }
0x83: {  	_ =	swait.ge [sflag:s16], $0x1000  }
0x84: {  	[sflag:s16] =	ssyncset.done $0x0  }
0x85: {  	[sflag:s16] =	ssyncadd.s32 $0xFFFFF000  }
0x86: {  	_ =	swait.ge [sflag:s17], $0x400  }
0x87: {  	[sflag:s17] =	ssyncset.done $0x0  }
0x88: {  	[sflag:s17] =	ssyncadd.s32 $0xFFFFFC00  }
0x89: {  	v1 =	vld [tilespmem:s21+$0x0];
	_ =	sdelay $0x1  }
0x8a: {  	s31 =	simm.s32 $0x0  }
0x8b: {  	v2 =	vmov s31  }
0x8c: {  	v2 =	vshll.u32 v2, $0x3  }
0x8d: {  	v2 =	vor.u32 v0, v2;
	v1 =	vand.u32 $0x7, v1  }
0x8e: {  	v1 =	vor.u32 v1, v2  }
0x8f: {  	v1 =	vadd.s32 $0x400, v1;
	_ =	sdelay $0x4  }
0x90: {  	v1 =	vld.idx.msk [tilespmem:v1+s12+$0x0], $0xffff;
	_ =	sdelay $0x4  }
0x91: {  	s26 =	sadd.s32 $0x10, s21;
	[tilespmem:s20+$0x0] =	vst v1  }
0x92: {  	s29 =	simm.s32 $0x20;
	s28 =	simm.s32 $0x10;
	s25 =	smov.u32 s20;
	v1 =	vld [tilespmem:s26+$0x0]  }
.LBB2_5:
0x93: {  	p0 =	sne.s32 s29, $0x70;
	_ =	sdelay $0x1  }
0x94: {  	v2 =	vmov s28;
	s28 =	smov.u32 s29  }
0x95: {  	v2 =	vshll.u32 v2, $0x3  }
0x96: {  	v2 =	vor.u32 v0, v2;
	v1 =	vand.u32 $0x7, v1  }
0x97: {  	v1 =	vor.u32 v1, v2  }
0x98: {  	v1 =	vadd.s32 $0x400, v1;
	_ =	sdelay $0x4  }
0x99: {  	v1 =	vld.idx.msk [tilespmem:v1+s12+$0x0], $0xffff;
	_ =	sdelay $0x2  }
.Ltmp1:
0x9a: {  	(pc) =	sbr.rel @p0 .LBB2_5-.Ltmp1, $4  }
0x9b: {  	_ = 	snop  }
0x9c: {  	s25 =	sadd.s32 $0x10, s25  }
0x9d: {  	s26 =	sadd.s32 $0x10, s26;
	[tilespmem:s25+$0x0] =	vst v1  }
0x9e: {  	s29 =	sadd.s32 $0x10, s29;
	v1 =	vld [tilespmem:s26+$0x0]  }
0x9f: {  	_ =	sdelay $0x1  }
0xa0: {  	v2 =	vmov s28  }
0xa1: {  	v2 =	vshll.u32 v2, $0x3  }
0xa2: {  	v2 =	vor.u32 v0, v2;
	v1 =	vand.u32 $0x7, v1  }
0xa3: {  	v1 =	vor.u32 v1, v2  }
0xa4: {  	v1 =	vadd.s32 $0x400, v1;
	_ =	sdelay $0x3  }
0xa5: {  	s24 =	sadd.s32 $0x1, s24  }
0xa6: {  	p0 =	sne.s32 s24, $0xD;
	v1 =	vld.idx.msk [tilespmem:v1+s12+$0x0], $0xffff  }
.Ltmp2:
0xa7: {  	_ = 	snop;
	(pc) =	sbr.rel @p0 .LBB2_2-.Ltmp2, $3  }
0xa8: {  	_ =	sdelay $0x1  }
0xa9: {  	s25 =	sadd.s32 $0x10, s25;
	s23 =	sadd.s32 $0x100, s23  }
0xaa: {  	s22 =	sadd.s32 $0x100, s22;
	s20 =	sadd.s32 $0x100, s20;
	s21 =	sadd.s32 $0x100, s21;
	[tilespmem:s25+$0x0] =	vst v1  }
0xab: {  	[hbm4b:s6+s2] =	stream.linear.scatter [tilespmem:s10], [sflag:$0x3], $0x1A000, $0x38;
	[tilespmem:$0x1C300] =	vst v63  }
0xac: {  	s19 =	sadd.s32 $0x1, s19;
	_ =	swait.ge [sflag:s9], $0x1A000  }
0xad: {  	p0 =	sne.s32 s19, s8;
	[sflag:s9] =	ssyncset.done $0x0  }
.Ltmp3:
0xae: {  	[sflag:s9] =	ssyncadd.s32 $0xFFFE6000;
	(pc) =	sbr.rel @p0 .LBB2_1-.Ltmp3, $4  }
0xaf: {  	[hbm4b:s7+s2] =	stream.linear.scatter [tilespmem:s18], [sflag:$0x3], $0xD00, $0x38;
	[tilespmem:$0x1C300] =	vst v63  }
0xb0: {  	_ =	swait.ge [sflag:s9], $0xD00  }
0xb1: {  	[sflag:s9] =	ssyncset.done $0x0  }
0xb2: {  	[sflag:s9] =	ssyncadd.s32 $0xFFFFF300  }
0xb3: {  	_ =	sfence.sel $0x180000  }
0xb4: {  	[bflag:$0x0] =	sbarrier.arrive $0xFFFF  }
0xb5: {  	p0 =	sne.s32 s1, $0x0;
	_ =	strace $0x9000004A  }
0xb6: {  	s0 =	sadd.s32 @!p0 $0x100000, s0;
	[bflag:$0x2] =	sbarrier.arrive $0xFFFF  }
0xb7: {  	[sflag:s0] =	ssyncadd.tile.s32 @!p0 $0x1;
	_ =	shalt  }
.Lfunc_end2:
_tile_overlayer_lowered:
.L_overlay_start_2:
0xb8: {  	(tag) =	ssettag $0x2  }
0xb9: {  	s0 =	rddreg [dreg:$0x0];
	s2 =	stileid.u32  }
0xba: {  	s1 =	rddreg [dreg:$0x1];
	p0 =	sne.s32 s2, $0x0  }
0xbb: {  	s3 =	rddreg [dreg:$0x2];
	[bflag:$0x3] =	sbarrier.arrive $0xFFFF;
	s2 =	simm.s32 @!p0 $0x1C03  }
0xbc: {  	[timem:s3], [sflag:s2] =	dma.local @!p0 [hbm:s0], s1  }
0xbd: {  	s0 =	simm.s32 @!p0 $0x3  }
0xbe: {  	_ =	swait.ge @!p0 [sflag:s0], s1  }
0xbf: {  	s1 =	ssub.s32 @!p0 $0x0, s1;
	[sflag:s0] =	ssyncset.done @!p0 $0x0  }
0xc0: {  	[sflag:s0] =	ssyncadd.s32 @!p0 s1  }
0xc1: {  	[bflag:$0x3] =	sbarrier.arrive $0xFFFF  }
0xc2: {  	_ =	shalt  }

// kernel: sparse-core-data-format-call.cloned.1.call-start
scs
called_computation_lowered:
.L_overlay_start_0:
0x0: {  	s1 =	sld [smem:$0x3FD9]  }
0x1: {  	s2 =	sld [smem:$0x3FFE];
	_ =	sdelay $0x1  }
0x2: {  	s3 =	srdreg.scid  }
0x3: {  	s0 =	sand.u32 $0x1, s3  }
0x4: {  	s17 =	sshll.u32 s0, $0xA;
	s1 =	sadd.s32 s2, s1  }
0x5: {  	s1 =	sadd.s32 s1, s17  }
0x6: {  	[smem:$0x3FC6] =	sst s1  }
0x7: {  	_ = 	snop  }
0x8: {  	(tm) =	ssettm $0x1  }
0x9: {  	s18 =	sld [smem:$0x3FFB];
	_ =	sdelay $0x3  }
0xa: {  	_ =	strace s18  }
0xb: {  	s1 =	sld [smem:$0x3FFC];
	_ =	sdelay $0x3  }
0xc: {  	_ =	strace s1  }
0xd: {  	s1 =	sld [smem:$0x3FFD];
	_ =	sdelay $0x3  }
0xe: {  	_ =	strace s1  }
0xf: {  	_ =	strace $0x8FFFFFFF  }
0x10: {  	s19 =	sld [smem:$0x3FDB];
	_ =	sdelay $0x1  }
0x11: {  	s20 =	simm.s32 $_scs_section_size  }
0x12: {  	s4 =	simm.s32 $_size__tile_overlayer_lowered;
	s5 =	simm.s32 $_tile_overlayer_lowered  }
0x13: {  	s23 =	simm.s32 $0x1BFF;
	s22 =	sshll.u32 s5, $0x1;
	s1 =	sadd.s32 s20, s19  }
0x14: {  	s6 =	simm.s32 $0x0;
	s21 =	sshll.u32 s4, $0x1;
	s4 =	sadd.s32 s22, s1  }
0x15: {  	[timem:s6], [sflag:s23] =	dma.local [hbm:s4], s21  }
0x16: {  	_ =	swait.ge [sflag:s23], s21  }
0x17: {  	s2 =	ssub.s32 $0x0, s21;
	[sflag:s23] =	ssyncset.done $0x0  }
0x18: {  	[sflag:s23] =	ssyncadd.s32 s2;
	_ =	sdelay $0x1  }
0x19: {  	s24 =	simm.s32 $0x1B8B  }
0x1a: {  	_ =	swait.ge [sflag:s24], $0x1  }
0x1b: {  	[sflag:s24] =	ssyncset.done $0x0  }
0x1c: {  	s26 =	simm.s32 $0x1B8E;
	s25 =	sld [smem:$0x3FFE];
	[sflag:s24] =	ssyncadd.s32 $0xFFFFFFFF  }
0x1d: {  	s27 =	simm.s32 $execute0_lowered;
	[smem:$0x3FD2] =	sst s26  }
0x1e: {  	s4 =	sshll.u32 s27, $0x1;
	_ =	strace $0x80000046;
	[dreg:$0x1] =	wrdreg $0xFFFFFFFF  }
0x1f: {  	s28 =	simm.s32 $_size_execute0_lowered;
	s1 =	sadd.s32 s1, s4;
	[dreg:$0x0] =	wrdreg $0x0  }
0x20: {  	s4 =	sshll.u32 s28, $0x1;
	[dreg:$0x2] =	wrdreg s1  }
0x21: {  	[dreg:$0x3] =	wrdreg s4  }
0x22: {  	[dreg:$0x4] =	wrdreg $0xC0  }
0x23: {  	_ =	task [dreg:s6], $0x5FFFF  }
0x24: {  	[dreg:$0x1] =	wrdreg $0xFFFFFFFF  }
0x25: {  	[dreg:$0x0] =	wrdreg $0x60  }
0x26: {  	[dreg:$0x2] =	wrdreg s25  }
0x27: {  	[dreg:$0x3] =	wrdreg $0x9  }
0x28: {  	_ =	task.clear_ibuf [dreg:s6], $0x4FFFF;
	_ =	strace $0x90000046  }
0x29: {  	s29 =	simm.s32 $0x9;
	_ =	strace $0x80000048  }
0x2a: {  	_ =	swait.ge [sflag:s29], $0x1  }
0x2b: {  	[sflag:s29] =	ssyncadd.s32 $0xFFFFFFFF  }
0x2c: {  	_ =	strace $0x90000048  }
0x2d: {  	_ =	sfence  }
0x2e: {  	s30 =	sld [smem:$0x0];
	_ =	sdelay $0x2  }
0x2f: {  	s31 =	sshll.u32 s3, $0xD;
	s3 =	sshrl.u32 s3, $0x2  }
0x30: {  	s2 =	sand.u32 $0x4000, s31;
	s1 =	sadd.s32 s3, s30  }
0x31: {  	s0 =	sor.u32 s2, s0;
	s1 =	sshll.u32 s1, $0x11  }
0x32: {  	s0 =	sor.u32 s1, s0  }
0x33: {  	s0 =	sadd.s32 $0x8F2B, s0  }
0x34: {  	[sflag:s0] =	ssyncadd.remote.s32 $0x1  }
0x35: {  	_ =	sfence.sel $0xFFFF  }
0x36: {  	[dreg:$0x0] =	wrdreg $0xFFFFFFFF;
	(pc) =	sbr.abs _section_cstart, $3  }
0x37: {  	[dreg:$0x1] =	wrdreg $0xFFFFFFFF  }
0x38: {  	_ =	task.clear_ibuf [dreg:s6], $0x2FFFF;
	_ =	strace $0x9FFFFFFF  }
0x39: {  	(tm) =	ssettm $0x7FFFFFFF  }
tec
execute0_lowered:
.L_overlay_start_1:
0x0: {  	(tag) =	ssettag $0x1  }
0x1: {  	s0 =	srdreg.scid  }
0x2: {  	s5 =	rddreg [dreg:$0x0];
	s1 =	stileid.u32;
	s4 =	simm.s32 $0x1  }
0x3: {  	s6 =	simm.s32 $0x2;
	s15 =	simm.s32 $0x0;
	p0 =	por $0x0, $0x0  }
0x4: {  	s8 =	simm.s32 $0x80;
	s14 =	simm.s32 $0x0;
	s2 =	sshll.u32 s0, $0x4  }
0x5: {  	s9 =	simm.s32 $0x0;
	s10 =	simm.s32 $0x0;
	s2 =	sand.u32 $0x10, s2  }
.Ltmp0:
0x6: {  	s12 =	simm.s32 $0x0;
	s3 =	sor.u32 s1, s2;
	(pc) =	sbr.rel .LBB1_1-.Ltmp0, $4  }
0x7: {  	s0 =	rddreg [dreg:$0x1];
	_ =	strace $0x80000047;
	s3 =	sshll.u32 s3, $0x7  }
0x8: {  	s13 =	simm.s32 $0x0;
	[sflag:s4] =	ssyncpa.u1 $0x0;
	s7 =	ssub.s32 $0xF4200, s3  }
0x9: {  	s2 =	sadd.s32 $0xC00, s5;
	[sflag:s6] =	ssyncpa.u1 $0x0;
	s6 =	sshrl.u32 s7, $0xC  }
0xa: {  	s5 =	sadd.s32 $0x3D1600, s5;
	s11 =	smov.u32 s3;
	s7 =	sadd.s32 $0x2, s6  }
.LBB1_5:
0xb: {  	p1 =	slt.u32 s13, $0x2  }
0xc: {  	s17 =	smov.u32 s15;
	p2 =	sgt.s32 @!p1 s15, $0xF41C0;
	s16 =	sshra.s32 @!p1 s15, $0x1F  }
0xd: {  	p3 =	sgt.s32 @!p1 s14, $0x60;
	s18 =	sshra.s32 @!p1 s14, $0x1F;
	p2 =	por !p2, p1  }
0xe: {  	s15 =	sand.u32 @!p1 s16, s15;
	p3 =	por !p3, p1;
	s16 =	smov.u32 s14  }
0xf: {  	s14 =	sand.u32 @!p1 s18, s14;
	s17 =	simm.s32 @p2 $0xF41C0;
	s16 =	simm.s32 @p3 $0x60  }
0x10: {  	s15 =	ssub.s32 @!p1 s17, s15;
	s14 =	ssub.s32 @!p1 s16, s14  }
0x11: {  	s18 =	smov.u32 s12;
	s16 =	sadd.s32 @!p1 $0xFFF0BE40, s15;
	s17 =	sadd.s32 @!p1 $0xFFFFFFA0, s14  }
0x12: {  	s15 =	ssub.s32 @!p1 $0xF4240, s15;
	p2 =	sgt.s32 @!p1 s16, $0x7F;
	p3 =	sgt.s32 @!p1 s17, $0x1F  }
0x13: {  	s14 =	ssub.s32 @!p1 $0x80, s14;
	p2 =	por !p2, p1;
	p3 =	por !p3, p1  }
0x14: {  	s16 =	sadd.s32 $0x1000, s11;
	s15 =	simm.s32 @!p2 $0x0;
	s14 =	simm.s32 @!p3 $0x0  }
0x15: {  	p2 =	sgt.s32 s16, $0xF423F;
	s14 =	smul.u32 @!p1 s14, s15;
	s15 =	sadd.s32 $0x20, s12  }
0x16: {  	s18 =	smov.u32 @p2 s15  }
0x17: {  	s16 =	smov.u32 @p2 s3;
	p2 =	sgt.s32 s18, $0x1F  }
0x18: {  	s18 =	simm.s32 @p2 $0x0;
	p2 =	sne.s32 s13, s7  }
.Ltmp1:
0x19: {  	p0 =	por !p0, !p0;
	s17 =	simm.s32 @!p1 $0x2;
	(pc) =	sbr.rel @!p2 .LBB1_6-.Ltmp1, $4  }
0x1a: {  	s15 =	smov.u32 s9;
	s9 =	smov.u32 s11;
	s14 =	sand.u32 @!p1 $0x3FFFFFFF, s14  }
0x1b: {  	s11 =	smov.u32 s16;
	_ =	swait.ge @!p1 [sflag:s17], s14;
	s19 =	ssub.s32 @!p1 $0x0, s14  }
0x1c: {  	s14 =	smov.u32 s10;
	s13 =	sadd.s32 $0x1, s13;
	[sflag:s17] =	ssyncset.done @!p1 $0x0  }
0x1d: {  	s10 =	smov.u32 s12;
	s12 =	smov.u32 s18;
	[sflag:s17] =	ssyncadd.s32 @!p1 s19  }
.LBB1_1:
0x1e: {  	p1 =	sgt.u32 s13, s6  }
0x1f: {  	s16 =	sshrl.u32 @!p1 s12, $0x3  }
0x20: {  	s17 =	sshll.u32 @!p1 s11, $0x3;
	s16 =	smul.u32 @!p1 $0x7A1400, s16  }
0x21: {  	s18 =	sshll.u32 @!p1 s12, $0x7;
	s17 =	sand.u32 @!p1 $0xFFFFFC00, s17  }
0x22: {  	s16 =	sadd.s32 @!p1 s16, s17;
	s17 =	sand.u32 @!p1 $0x380, s18  }
0x23: {  	s18 =	sand.u32 @!p1 $0x7F, s11;
	s16 =	sor.u32 @!p1 s17, s16  }
0x24: {  	s17 =	sor.u32 @!p1 s18, s16  }
0x25: {  	s18 =	smulhi.u32 @!p1 $0x218D6287, s17;
	_ =	sdelay $0x1  }
0x26: {  	s16 =	smulhi.u32 @!p1 $0x218D6287, s16;
	s18 =	sshrl.u32 @!p1 s18, $0x11  }
0x27: {  	s18 =	smul.u32 @!p1 $0xF4280, s18  }
0x28: {  	s19 =	sxor.u32 @!p1 $0xFFFFFFFF, s13;
	s16 =	sshrl.u32 @!p1 s16, $0x11  }
0x29: {  	s19 =	sshll.u32 @!p1 s19, $0xC;
	s16 =	sand.u32 @!p1 $0x1F, s16;
	s17 =	ssub.s32 @!p1 s17, s18  }
0x2a: {  	s16 =	smul.u32 @!p1 $0x1E850, s16;
	s18 =	sshrl.u32 @!p1 s17, $0x3;
	s17 =	sand.u32 @!p1 $0x7, s17  }
0x2b: {  	s19 =	sand.u32 @!p1 $0x1000, s19;
	s18 =	sadd.s32 @!p1 s2, s18;
	s17 =	sshll.u32 @!p1 s17, $0x12  }
0x2c: {  	s16 =	sadd.s32 @!p1 s16, s18;
	s17 =	sor.u32 @!p1 $0x400, s17;
	s18 =	simm.s32 @!p1 $0x7A1400  }
0x2d: {  	[tilespmem:s19], [sflag:$0x1] =	stream.strided.gather @!p1 [hbm4b:s16+s17], $0x1000, s18, s17, $0x38;
	[tilespmem:$0x4100] =	vst v63  }
0x2e: {  	p1 =	seq.s32 s13, $0x0  }
0x2f: {  	p2 =	sge.u32 @!p1 s13, s7  }
0x30: {  	p1 =	por p1, p2  }
.Ltmp2:
0x31: {  	_ = 	snop;
	(pc) =	sbr.rel @p1 .LBB1_5-.Ltmp2, $1  }
0x32: {  	_ =	sdelay $0x3  }
0x33: {  	s16 =	simm.s32 $0x1  }
0x34: {  	_ =	swait.ge [sflag:s4], $0x1000;
	s16 =	simm.s32 @!p0 $0x0  }
0x35: {  	[sflag:s4] =	ssyncset.done $0x0;
	s17 =	sshll.u32 s16, $0xC  }
0x36: {  	[sflag:s4] =	ssyncadd.s32 $0xFFFFF000;
	s17 =	sor.u32 $0x40, s17  }
0x37: {  	s16 =	smul.u32 $0x4200, s16;
	v0 =	vld [tilespmem:s17+$0x30]  }
0x38: {  	v1 =	vld [tilespmem:s17+$0xFFFFFFD0]  }
0x39: {  	s16 =	sshrl.u32 s16, $0x2;
	v5 =	vld [tilespmem:s17+$0xFFFFFFE0]  }
0x3a: {  	v6 =	vld [tilespmem:s17+$0xFFFFFFF0];
	s19 =	sor.u32 $0x2000, s16  }
0x3b: {  	s31 =	sand.u32 $0x1, s13;
	v4 =	vld [tilespmem:s17+$0x0];
	s18 =	sadd.s32 $0x0, s19  }
0x3c: {  	v3 =	vld [tilespmem:s17+$0x10];
	s16 =	smul.u32 $0x4200, s31;
	[tilespmem:s18+$0xE70 ss:$0x21] =	vst.msk $0xffff, v0  }
0x3d: {  	v2 =	vld [tilespmem:s17+$0x20];
	[tilespmem:s18+$0x210 ss:$0x21] =	vst.msk $0xffff, v1  }
0x3e: {  	s16 =	sshrl.u32 s16, $0x2;
	v1 =	vld [tilespmem:s17+$0xFFFFFFC0];
	[tilespmem:s18+$0x420 ss:$0x21] =	vst.msk $0xffff, v5;
	s17 =	sadd.s32 $0x80, s17  }
0x3f: {  	s20 =	simm.s32 $0x4;
	s21 =	simm.s32 $0x8;
	s16 =	sor.u32 $0x2000, s16;
	[tilespmem:s18+$0x630 ss:$0x21] =	vst.msk $0xffff, v6;
	v0 =	vld [tilespmem:s17+$0x30]  }
.LBB1_3:
0x40: {  	p1 =	sne.s32 s21, $0x7C;
	v5 =	vld [tilespmem:s17+$0xFFFFFFD0];
	[tilespmem:s18+$0x840 ss:$0x21] =	vst.msk $0xffff, v4  }
0x41: {  	v6 =	vld [tilespmem:s17+$0xFFFFFFE0];
	[tilespmem:s18+$0xA50 ss:$0x21] =	vst.msk $0xffff, v3  }
0x42: {  	s22 =	sshra.s32 s20, $0x2;
	s20 =	smov.u32 s21;
	v7 =	vld [tilespmem:s17+$0xFFFFFFF0];
	[tilespmem:s18+$0xC60 ss:$0x21] =	vst.msk $0xffff, v2  }
.Ltmp3:
0x43: {  	v4 =	vld [tilespmem:s17+$0x0];
	[tilespmem:s18+$0x0 ss:$0x21] =	vst.msk $0xffff, v1;
	s18 =	sadd.s32 s22, s19;
	(pc) =	sbr.rel @p1 .LBB1_3-.Ltmp3, $4  }
0x44: {  	v3 =	vld [tilespmem:s17+$0x10];
	[tilespmem:s18+$0xE70 ss:$0x21] =	vst.msk $0xffff, v0  }
0x45: {  	[tilespmem:s18+$0x210 ss:$0x21] =	vst.msk $0xffff, v5;
	v2 =	vld [tilespmem:s17+$0x20]  }
0x46: {  	v1 =	vld [tilespmem:s17+$0xFFFFFFC0];
	[tilespmem:s18+$0x420 ss:$0x21] =	vst.msk $0xffff, v6;
	s17 =	sadd.s32 $0x80, s17  }
0x47: {  	s21 =	sadd.s32 $0x4, s21;
	v0 =	vld [tilespmem:s17+$0x30];
	[tilespmem:s18+$0x630 ss:$0x21] =	vst.msk $0xffff, v7  }
0x48: {  	s21 =	sshll.u32 s9, $0x7;
	s22 =	sshll.u32 s10, $0x3;
	s20 =	sshra.s32 s20, $0x2  }
0x49: {  	p1 =	sgt.s32 s9, $0xF41C0;
	s30 =	sshra.s32 s9, $0x1F;
	s25 =	sshra.s32 s10, $0x1F  }
0x4a: {  	v5 =	vld [tilespmem:s17+$0xFFFFFFD0];
	s28 =	sshrl.u32 s10, $0x3;
	s23 =	sand.u32 $0xFFFFFC00, s21;
	s22 =	sand.u32 $0xFFFFFC00, s22  }
0x4b: {  	[tilespmem:s18+$0x840 ss:$0x21] =	vst.msk $0xffff, v4;
	v58 =	vld [tilespmem:s17+$0xFFFFFFE0];
	s21 =	sand.u32 $0x380, s21;
	s19 =	sadd.s32 s20, s19;
	s22 =	sadd.s32 s22, s23  }
0x4c: {  	v59 =	vld [tilespmem:s17+$0xFFFFFFF0];
	[tilespmem:s18+$0xA50 ss:$0x21] =	vst.msk $0xffff, v3;
	s29 =	sor.u32 s21, s22;
	s21 =	smov.u32 s9;
	s22 =	sand.u32 s30, s9  }
0x4d: {  	v60 =	vld [tilespmem:s17+$0x0];
	[tilespmem:s18+$0xC60 ss:$0x21] =	vst.msk $0xffff, v2;
	s30 =	sand.u32 $0x7, s10;
	s20 =	sshrl.u32 s29, $0x7;
	s21 =	simm.s32 @!p1 $0xF41C0  }
0x4e: {  	v61 =	vld [tilespmem:s17+$0x10];
	[tilespmem:s18+$0x0 ss:$0x21] =	vst.msk $0xffff, v1;
	p1 =	sgt.s32 s10, $0x60;
	s24 =	ssub.s32 s21, s22;
	s21 =	smov.u32 s10  }
0x4f: {  	v62 =	vld [tilespmem:s17+$0x20];
	[tilespmem:s19+$0xE70 ss:$0x21] =	vst.msk $0xffff, v0;
	s31 =	smulhi.u32 $0x218DEF5, s20;
	s22 =	sand.u32 s25, s10;
	s21 =	simm.s32 @!p1 $0x60  }
0x50: {  	v63 =	vld [tilespmem:s17+$0xFFFFFFC0];
	[tilespmem:s19+$0x210 ss:$0x21] =	vst.msk $0xffff, v5;
	s26 =	sadd.s32 $0xFFF0BE40, s24;
	s17 =	ssub.s32 $0xF4240, s24;
	s21 =	ssub.s32 s21, s22  }
0x51: {  	[tilespmem:s19+$0x420 ss:$0x21] =	vst.msk $0xffff, v58;
	s23 =	sshrl.u32 s31, $0xD;
	p1 =	sgt.s32 s26, $0x7F;
	s27 =	sadd.s32 $0xFFFFFFA0, s21  }
0x52: {  	[tilespmem:s19+$0x630 ss:$0x21] =	vst.msk $0xffff, v59;
	s23 =	smul.u32 $0xF4240, s23;
	s18 =	ssub.s32 $0x80, s21;
	p2 =	sgt.s32 s27, $0x1F  }
.Ltmp4:
0x53: {  	[tilespmem:s19+$0x840 ss:$0x21] =	vst.msk $0xffff, v60;
	s17 =	simm.s32 @p1 $0x0;
	s18 =	simm.s32 @p2 $0x0;
	(pc) =	sbr.rel .LBB1_5-.Ltmp4, $4  }
0x54: {  	s29 =	sand.u32 $0xF, s28;
	[tilespmem:s19+$0xA50 ss:$0x21] =	vst.msk $0xffff, v61;
	s20 =	ssub.s32 s20, s23;
	s17 =	smul.u32 s18, s17  }
0x55: {  	[tilespmem:s19+$0xC60 ss:$0x21] =	vst.msk $0xffff, v62;
	s21 =	sshll.u32 s30, $0x12;
	s20 =	sshll.u32 s20, $0x4;
	s18 =	sadd.s32 s5, s29  }
0x56: {  	[tilespmem:s19+$0x0 ss:$0x21] =	vst.msk $0xffff, v63;
	s31 =	sor.u32 $0x20, s21;
	s18 =	sadd.s32 s20, s18;
	s17 =	sand.u32 $0x3FFFFFFF, s17  }
0x57: {  	[hbm4b:s18+s31] =	stream.strided.scatter [tilespmem:s16], [sflag:$0x2], s17, s8, s31, $0x10;
	[tilespmem:$0x4100] =	vst v63  }
.LBB1_6:
0x58: {  	_ =	sfence.sel $0x180000  }
0x59: {  	s2 =	simm.s32 $0x1;
	[bflag:$0x0] =	sbarrier.arrive $0xFFFF  }
0x5a: {  	s31 =	simm.s32 $0x2;
	[sflag:s2] =	ssyncpa.u1 $0x1  }
0x5b: {  	[sflag:s31] =	ssyncpa.u1 $0x1  }
0x5c: {  	p0 =	sne.s32 s1, $0x0;
	_ =	strace $0x90000047  }
0x5d: {  	s0 =	sadd.s32 @!p0 $0x100000, s0;
	[bflag:$0x2] =	sbarrier.arrive $0xFFFF  }
0x5e: {  	[sflag:s0] =	ssyncadd.tile.s32 @!p0 $0x1;
	_ =	shalt  }
.Lfunc_end1:
_tile_overlayer_lowered:
.L_overlay_start_2:
0x5f: {  	(tag) =	ssettag $0x2  }
0x60: {  	s0 =	rddreg [dreg:$0x0];
	s2 =	stileid.u32  }
0x61: {  	s1 =	rddreg [dreg:$0x1];
	p0 =	sne.s32 s2, $0x0  }
0x62: {  	s3 =	rddreg [dreg:$0x2];
	[bflag:$0x3] =	sbarrier.arrive $0xFFFF;
	s2 =	simm.s32 @!p0 $0x1C01  }
0x63: {  	[timem:s3], [sflag:s2] =	dma.local @!p0 [hbm:s0], s1  }
0x64: {  	s0 =	simm.s32 @!p0 $0x1  }
0x65: {  	_ =	swait.ge @!p0 [sflag:s0], s1  }
0x66: {  	s1 =	ssub.s32 @!p0 $0x0, s1;
	[sflag:s0] =	ssyncset.done @!p0 $0x0  }
0x67: {  	[sflag:s0] =	ssyncadd.s32 @!p0 s1  }
0x68: {  	[bflag:$0x3] =	sbarrier.arrive $0xFFFF  }
0x69: {  	_ =	shalt  }

</sc_bundles>
